<compile_context>
chip_gen: v7x
topology: tpu7x:2x2x1
jax: 0.10.2.dev20260603
libtpu: 0.0.44.dev20260713+nightly
codegen_flags: <defaults>
</compile_context>

<pallas_src>
import jax
import jax.numpy as jnp
from jax import lax
from jax.experimental import pallas as pl
from jax.experimental.pallas import tpu as pltpu
from jax.experimental.pallas import tpu_sc as plsc

N = 10000
DF = 128
H = 16
C = 7
E = 320000

NC = 2
NS = 16
CHUNK = 2000
CPW = 5
EPW = CHUNK * CPW
N_PAD = 10240
RPS = N_PAD // NS

ROWS = 1024
ROWS8 = ROWS // 8
GRID_TC = N_PAD // ROWS
NP8 = N_PAD * H // 128

_mesh = plsc.VectorSubcoreMesh(core_axis_name="c", subcore_axis_name="s")
_sc_params = pltpu.CompilerParams(use_tc_tiling_on_sc=False)



def _deg_body(ei_hbm, ones_hbm, out_hbm, dst_v, ones_v, acc_sh, sem):
    cid = lax.axis_index("c")
    sid = lax.axis_index("s")
    w = sid * NC + cid
    pltpu.sync_copy(ones_hbm.at[pl.ds(sid * RPS, RPS)],
                    acc_sh.at[pl.ds(sid * RPS, RPS)])
    pltpu.sync_copy(ones_hbm.at[pl.ds(0, CHUNK)], ones_v)
    pltpu.sync_copy(ei_hbm.at[1, pl.ds(w * EPW, EPW)], dst_v)
    plsc.subcore_barrier()

    @pl.loop(0, CPW)
    def _(j):
        pltpu.async_copy(ones_v, acc_sh.at[dst_v.at[pl.ds(j * CHUNK, CHUNK)]],
                         sem, add=True)

    @pl.loop(0, CPW)
    def _(j):
        pltpu.make_async_copy(
            ones_v, acc_sh.at[dst_v.at[pl.ds(j * CHUNK, CHUNK)]], sem).wait()

    plsc.subcore_barrier()
    pltpu.sync_copy(acc_sh.at[pl.ds(sid * RPS, RPS)],
                    out_hbm.at[cid, pl.ds(sid * RPS, RPS)])


def _agg_body(g_hbm, ei_hbm, out_hbm,
              src_v, dst_v, r0, r1, g_sh, acc_sh, sg0, sg1):
    cid = lax.axis_index("c")
    sid = lax.axis_index("s")
    w = sid * NC + cid
    pltpu.async_copy(g_hbm.at[pl.ds(sid * RPS, RPS)],
                     g_sh.at[pl.ds(sid * RPS, RPS)], sg1)
    pltpu.async_copy(g_hbm.at[pl.ds(sid * RPS, RPS)],
                     acc_sh.at[pl.ds(sid * RPS, RPS)], sg0)
    pltpu.sync_copy(ei_hbm.at[0, pl.ds(w * EPW, EPW)], src_v)
    pltpu.sync_copy(ei_hbm.at[1, pl.ds(w * EPW, EPW)], dst_v)
    pltpu.make_async_copy(g_hbm.at[pl.ds(sid * RPS, RPS)],
                          g_sh.at[pl.ds(sid * RPS, RPS)], sg1).wait()
    pltpu.make_async_copy(g_hbm.at[pl.ds(sid * RPS, RPS)],
                          acc_sh.at[pl.ds(sid * RPS, RPS)], sg0).wait()
    plsc.subcore_barrier()

    pltpu.async_copy(g_sh.at[src_v.at[pl.ds(0, CHUNK)]], r0, sg0)

    @pl.loop(0, CPW - 1, step=2)
    def _(j):
        pltpu.async_copy(g_sh.at[src_v.at[pl.ds((j + 1) * CHUNK, CHUNK)]],
                         r1, sg1)
        pltpu.make_async_copy(g_sh.at[src_v.at[pl.ds(j * CHUNK, CHUNK)]],
                              r0, sg0).wait()
        pltpu.sync_copy(r0, acc_sh.at[dst_v.at[pl.ds(j * CHUNK, CHUNK)]],
                        add=True)
        pltpu.async_copy(
            g_sh.at[src_v.at[pl.ds((j + 2) * CHUNK, CHUNK)]], r0, sg0)
        pltpu.make_async_copy(
            g_sh.at[src_v.at[pl.ds((j + 1) * CHUNK, CHUNK)]], r1, sg1).wait()
        pltpu.sync_copy(r1, acc_sh.at[dst_v.at[pl.ds((j + 1) * CHUNK, CHUNK)]],
                        add=True)

    pltpu.make_async_copy(
        g_sh.at[src_v.at[pl.ds((CPW - 1) * CHUNK, CHUNK)]], r0, sg0).wait()
    pltpu.sync_copy(r0, acc_sh.at[dst_v.at[pl.ds((CPW - 1) * CHUNK, CHUNK)]],
                    add=True)

    plsc.subcore_barrier()
    pltpu.sync_copy(acc_sh.at[pl.ds(sid * RPS, RPS)],
                    out_hbm.at[cid, pl.ds(sid * RPS, RPS)])


def _sc_deg(ei32, ones2):
    return pl.kernel(
        _deg_body,
        out_type=jax.ShapeDtypeStruct((NC, N_PAD, H), jnp.float32),
        mesh=_mesh,
        scratch_types=[
            pltpu.VMEM((EPW,), jnp.int32),
            pltpu.VMEM((CHUNK, H), jnp.float32),
            pltpu.VMEM_SHARED((N_PAD, H), jnp.float32),
            pltpu.SemaphoreType.DMA,
        ],
        compiler_params=_sc_params,
    )(ei32, ones2)


def _sc_agg(g, ei32):
    return pl.kernel(
        _agg_body,
        out_type=jax.ShapeDtypeStruct((NC, N_PAD, H), jnp.float32),
        mesh=_mesh,
        scratch_types=[
            pltpu.VMEM((EPW,), jnp.int32),
            pltpu.VMEM((EPW,), jnp.int32),
            pltpu.VMEM((CHUNK, H), jnp.float32),
            pltpu.VMEM((CHUNK, H), jnp.float32),
            pltpu.VMEM_SHARED((N_PAD, H), jnp.float32),
            pltpu.VMEM_SHARED((N_PAD, H), jnp.float32),
            pltpu.SemaphoreType.DMA,
            pltpu.SemaphoreType.DMA,
        ],
        compiler_params=_sc_params,
    )(g, ei32)



def _mm_body(xs_ref, w_ref, h_ref):
    h_ref[...] = jnp.dot(xs_ref[...], w_ref[...],
                         preferred_element_type=jnp.float32)


def _tc_mm(xs, W1s):
    return pl.pallas_call(
        _mm_body,
        grid=(GRID_TC,),
        in_specs=[pl.BlockSpec((ROWS8, 8 * DF), lambda i: (i, 0)),
                  pl.BlockSpec((8 * DF, 128), lambda i: (0, 0))],
        out_specs=pl.BlockSpec((ROWS8, 128), lambda i: (i, 0)),
        out_shape=jax.ShapeDtypeStruct((NP8, 128), jnp.float32),
    )(xs, W1s)


def _s1_body(deg_ref, h_ref, g_ref, dis_ref):
    deg = deg_ref[0] + deg_ref[1] - 1.0
    dis = lax.rsqrt(deg)
    dis_ref[...] = dis
    g_ref[...] = dis * h_ref[...]


def _tc_scale(deg2v, hv):
    return pl.pallas_call(
        _s1_body,
        grid=(GRID_TC,),
        in_specs=[pl.BlockSpec((NC, ROWS8, 128), lambda i: (0, i, 0)),
                  pl.BlockSpec((ROWS8, 128), lambda i: (i, 0))],
        out_specs=[pl.BlockSpec((ROWS8, 128), lambda i: (i, 0)),
                   pl.BlockSpec((ROWS8, 128), lambda i: (i, 0))],
        out_shape=[jax.ShapeDtypeStruct((NP8, 128), jnp.float32),
                   jax.ShapeDtypeStruct((NP8, 128), jnp.float32)],
    )(deg2v, hv)


def _s2_body(a_ref, g1_ref, dis_ref, w2_ref, b1_ref, g2_ref):
    dis = dis_ref[...]
    pre = dis * (a_ref[0] + a_ref[1] - g1_ref[...]) + b1_ref[...]
    h = jnp.maximum(pre, 0.0)
    h2 = jnp.dot(h, w2_ref[...], preferred_element_type=jnp.float32)
    g2_ref[...] = dis * h2


def _tc_layer2(agg1v, g1v, dis, W2bd, b1t):
    return pl.pallas_call(
        _s2_body,
        grid=(GRID_TC,),
        in_specs=[pl.BlockSpec((NC, ROWS8, 128), lambda i: (0, i, 0)),
                  pl.BlockSpec((ROWS8, 128), lambda i: (i, 0)),
                  pl.BlockSpec((ROWS8, 128), lambda i: (i, 0)),
                  pl.BlockSpec((128, 128), lambda i: (0, 0)),
                  pl.BlockSpec((1, 128), lambda i: (0, 0))],
        out_specs=pl.BlockSpec((ROWS8, 128), lambda i: (i, 0)),
        out_shape=jax.ShapeDtypeStruct((NP8, 128), jnp.float32),
    )(agg1v, g1v, dis, W2bd, b1t)


def _s3_body(a_ref, g2_ref, dis_ref, b2_ref, seg_ref, o_ref):
    logits = (dis_ref[...] * (a_ref[0] + a_ref[1] - g2_ref[...])
              + b2_ref[...])
    col = lax.broadcasted_iota(jnp.int32, logits.shape, 1)
    masked = jnp.where(col % H < C, logits, -jnp.inf)
    m = jnp.max(masked, axis=1, keepdims=True)
    e = jnp.exp(masked - m)
    s = jnp.dot(e, seg_ref[...], preferred_element_type=jnp.float32)
    o_ref[...] = logits - (m + jnp.log(s))


def _tc_logsoftmax(agg2v, g2v, dis, b2t, seg):
    return pl.pallas_call(
        _s3_body,
        grid=(GRID_TC,),
        in_specs=[pl.BlockSpec((NC, ROWS8, 128), lambda i: (0, i, 0)),
                  pl.BlockSpec((ROWS8, 128), lambda i: (i, 0)),
                  pl.BlockSpec((ROWS8, 128), lambda i: (i, 0)),
                  pl.BlockSpec((1, 128), lambda i: (0, 0)),
                  pl.BlockSpec((128, 128), lambda i: (0, 0))],
        out_specs=pl.BlockSpec((ROWS8, 128), lambda i: (i, 0)),
        out_shape=jax.ShapeDtypeStruct((NP8, 128), jnp.float32),
    )(agg2v, g2v, dis, b2t, seg)



def kernel(x, edge_index, W1, b1, W2, b2):
    ei32 = edge_index.astype(jnp.int32)

    x16 = jnp.pad(x.astype(jnp.bfloat16), ((0, N_PAD - N), (0, 0)))
    xs = x16.reshape(NP8, 8 * DF)
    eye8 = jnp.eye(8, dtype=jnp.float32)
    W1s = jnp.kron(eye8, W1).astype(jnp.bfloat16)
    W2p = jnp.zeros((H, H), jnp.float32).at[:, :C].set(W2)
    W2bd = jnp.kron(eye8, W2p)
    ones2 = jnp.ones((N_PAD, H), jnp.float32)
    b1t = jnp.tile(b1, 8).reshape(1, 128)
    b2t = jnp.tile(jnp.zeros((H,), jnp.float32).at[:C].set(b2), 8)
    b2t = b2t.reshape(1, 128)
    lane = jnp.arange(128)
    seg = (lane[:, None] // H == lane[None, :] // H).astype(jnp.float32)

    deg2 = _sc_deg(ei32, ones2)
    hv = _tc_mm(xs, W1s)
    deg2v = deg2.reshape(NC, NP8, 128)
    g1v, dis = _tc_scale(deg2v, hv)
    agg1 = _sc_agg(g1v.reshape(N_PAD, H), ei32)
    g2v = _tc_layer2(agg1.reshape(NC, NP8, 128), g1v, dis, W2bd, b1t)
    agg2 = _sc_agg(g2v.reshape(N_PAD, H), ei32)
    out128 = _tc_logsoftmax(agg2.reshape(NC, NP8, 128), g2v, dis, b2t, seg)
    return out128.reshape(N_PAD, H)[:N, :C]

# --- scband reference (transcript-rebuilt; emitter-appended) ---
"""Pipeline reference for scband-net-541165879961 (READ-ONLY COPY).

The authoritative reference and input builder live on the scoring server;
editing this copy changes nothing except your own understanding.
"""

import jax, jax.numpy as jnp
import numpy as np

N_NODES = 10000
D_FEAT = 128
HIDDEN = 16
N_CLASSES = 7
N_EDGES = 320000


def setup_inputs(seed: int = 0) -> dict:
    key = jax.random.key(seed)
    k1, k2, k3, k4, k5, k6 = jax.random.split(key, 6)
    x = jax.random.normal(k1, (N_NODES, D_FEAT), dtype=jnp.float32)
    edge_index = jax.random.randint(k2, (2, N_EDGES), 0, N_NODES, dtype=jnp.int64)
    # GCNConv layer 1: num_features -> hidden
    W1 = jax.random.normal(k3, (D_FEAT, HIDDEN), dtype=jnp.float32) * (1.0 / np.sqrt(D_FEAT))
    b1 = jnp.zeros((HIDDEN,), dtype=jnp.float32)
    # GCNConv layer 2: hidden -> num_classes
    W2 = jax.random.normal(k4, (HIDDEN, N_CLASSES), dtype=jnp.float32) * (1.0 / np.sqrt(HIDDEN))
    b2 = jnp.zeros((N_CLASSES,), dtype=jnp.float32)
    return {"x": x, "edge_index": edge_index, "W1": W1, "b1": b1, "W2": W2, "b2": b2}


def _gcn_conv(x, src, dst, norm, W, b):
    # h = X W, then normalized scatter-add aggregation over edges (with self-loops)
    h = x @ W
    msg = jnp.take(h, src, axis=0) * norm[:, None]
    out = jnp.zeros((x.shape[0], W.shape[1]), dtype=h.dtype).at[dst].add(msg)
    return out + b


def reference(x, edge_index, W1, b1, W2, b2):
    N = x.shape[0]
    # add self-loops (GCNConv default add_self_loops=True)
    loop = jnp.arange(N, dtype=edge_index.dtype)
    src = jnp.concatenate([edge_index[0], loop])
    dst = jnp.concatenate([edge_index[1], loop])
    # symmetric normalization D^{-1/2} (A+I) D^{-1/2}
    deg = jnp.zeros((N,), dtype=jnp.float32).at[dst].add(1.0)
    deg_inv_sqrt = jnp.where(deg > 0, 1.0 / jnp.sqrt(deg), 0.0)
    norm = deg_inv_sqrt[src] * deg_inv_sqrt[dst]
    # layer 1 + relu (dropout is identity in eval mode)
    h = _gcn_conv(x, src, dst, norm, W1, b1)
    h = jax.nn.relu(h)
    # layer 2
    out = _gcn_conv(h, src, dst, norm, W2, b2)
    # log_softmax over classes
    return out - jax.scipy.special.logsumexp(out, axis=1, keepdims=True)

if __name__ == "__main__":
    import jax
    _d = setup_inputs()
    print(jax.jit(kernel)(*tuple(_d.values())))

</pallas_src>

<mosaic_0001>
#map = affine_map<(d0, d1) -> (0, 0)>
#map1 = affine_map<(d0, d1) -> (0, 0, 0)>
module attributes {stable_mosaic.version = 14 : i64} {
  func.func @_deg_body(%arg0: i32, %arg1: i32, %arg2: memref<2x320000xi32, #tpu.memory_space<hbm>>, %arg3: memref<10240x16xf32, #tpu.memory_space<hbm>>, %arg4: memref<2x10240x16xf32, #tpu.memory_space<hbm>>, %arg5: memref<10000xi32, #tpu.memory_space<vmem>>, %arg6: memref<2000x16xf32, #tpu.memory_space<vmem>>, %arg7: memref<10240x16xf32, #tpu.memory_space<vmem_shared>>, %arg8: memref<!tpu.dma_semaphore, #tpu.memory_space<semaphore_mem>>) attributes {dimension_semantics = [#tpu.dimension_semantics<core_parallel>, #tpu.dimension_semantics<subcore_parallel>], iteration_bounds = array<i64: 2, 16>, scalar_prefetch = 0 : i64, scratch_operands = 4 : i64, tpu.core_type = #tpu.core_type<sc_vector_subcore>, window_params = [{transform_indices = #map}, {transform_indices = #map}, {transform_indices = #map1}]} {
    %mul3A = arith.constant 2 : i32
    %mul3A_0 = arith.muli %arg1, %mul3A : i32
    %add3A = arith.addi %mul3A_0, %arg0 : i32
    %mul3A_1 = arith.constant 640 : i32
    %mul3A_2 = arith.muli %arg1, %mul3A_1 : i32
    %mul3A_3 = arith.constant 640 : i32
    %mul3A_4 = arith.muli %arg1, %mul3A_3 : i32
    "tpu.region"() ({
      %run_scoped3A_21 = tpu.sem_alloc : memref<!tpu.dma_semaphore, #tpu.memory_space<semaphore_mem>>
      %dma_start3A = arith.constant 0 : i32
      %dma_start3A_22 = tpu.memref_slice %arg7[%mul3A_4, %dma_start3A] : memref<10240x16xf32, #tpu.memory_space<vmem_shared>> -> memref<640x16xf32, #tpu.memory_space<vmem_shared>>
      %dma_start3A_23 = arith.constant 0 : i32
      %dma_start3A_24 = tpu.memref_slice %arg3[%mul3A_2, %dma_start3A_23] : memref<10240x16xf32, #tpu.memory_space<hbm>> -> memref<640x16xf32, #tpu.memory_space<hbm>>
      tpu.enqueue_dma source(%dma_start3A_24 : memref<640x16xf32, #tpu.memory_space<hbm>>) target(%dma_start3A_22 : memref<640x16xf32, #tpu.memory_space<vmem_shared>>) target_semaphore(%run_scoped3A_21 : memref<!tpu.dma_semaphore, #tpu.memory_space<semaphore_mem>>)
      %dma_wait3A = arith.constant 0 : i32
      %dma_wait3A_25 = tpu.memref_slice %arg7[%mul3A_4, %dma_wait3A] : memref<10240x16xf32, #tpu.memory_space<vmem_shared>> -> memref<640x16xf32, #tpu.memory_space<vmem_shared>>
      %dma_wait3A_26 = arith.constant 0 : i32
      %dma_wait3A_27 = tpu.memref_slice %arg3[%mul3A_2, %dma_wait3A_26] : memref<10240x16xf32, #tpu.memory_space<hbm>> -> memref<640x16xf32, #tpu.memory_space<hbm>>
      tpu.wait_dma2 semaphore(%run_scoped3A_21 : memref<!tpu.dma_semaphore, #tpu.memory_space<semaphore_mem>>) src(%dma_wait3A_27 : memref<640x16xf32, #tpu.memory_space<hbm>>) dst(%dma_wait3A_25 : memref<640x16xf32, #tpu.memory_space<vmem_shared>>)
      tpu.yield
    }) : () -> ()
    "tpu.region"() ({
      %run_scoped3A_21 = tpu.sem_alloc : memref<!tpu.dma_semaphore, #tpu.memory_space<semaphore_mem>>
      %dma_start3A = arith.constant 0 : i32
      %dma_start3A_22 = arith.constant 0 : i32
      %dma_start3A_23 = tpu.memref_slice %arg3[%dma_start3A, %dma_start3A_22] : memref<10240x16xf32, #tpu.memory_space<hbm>> -> memref<2000x16xf32, #tpu.memory_space<hbm>>
      %dma_start3A_24 = arith.constant 0 : i32
      %dma_start3A_25 = arith.constant 0 : i32
      %dma_start3A_26 = tpu.memref_slice %arg3[%dma_start3A_24, %dma_start3A_25] : memref<10240x16xf32, #tpu.memory_space<hbm>> -> memref<2000x16xf32, #tpu.memory_space<hbm>>
      tpu.enqueue_dma source(%dma_start3A_26 : memref<2000x16xf32, #tpu.memory_space<hbm>>) target(%arg6 : memref<2000x16xf32, #tpu.memory_space<vmem>>) target_semaphore(%run_scoped3A_21 : memref<!tpu.dma_semaphore, #tpu.memory_space<semaphore_mem>>)
      %dma_wait3A = arith.constant 0 : i32
      %dma_wait3A_27 = arith.constant 0 : i32
      %dma_wait3A_28 = tpu.memref_slice %arg3[%dma_wait3A, %dma_wait3A_27] : memref<10240x16xf32, #tpu.memory_space<hbm>> -> memref<2000x16xf32, #tpu.memory_space<hbm>>
      %dma_wait3A_29 = arith.constant 0 : i32
      %dma_wait3A_30 = arith.constant 0 : i32
      %dma_wait3A_31 = tpu.memref_slice %arg3[%dma_wait3A_29, %dma_wait3A_30] : memref<10240x16xf32, #tpu.memory_space<hbm>> -> memref<2000x16xf32, #tpu.memory_space<hbm>>
      tpu.wait_dma2 semaphore(%run_scoped3A_21 : memref<!tpu.dma_semaphore, #tpu.memory_space<semaphore_mem>>) src(%dma_wait3A_31 : memref<2000x16xf32, #tpu.memory_space<hbm>>) dst(%arg6 : memref<2000x16xf32, #tpu.memory_space<vmem>>)
      tpu.yield
    }) : () -> ()
    %mul3A_5 = arith.constant 10000 : i32
    %mul3A_6 = arith.muli %add3A, %mul3A_5 : i32
    %run_scoped3A = arith.constant 1 : i32
    "tpu.region"() ({
      %run_scoped3A_21 = tpu.sem_alloc : memref<!tpu.dma_semaphore, #tpu.memory_space<semaphore_mem>>
      %dma_start3A = tpu.memref_slice %arg2[%run_scoped3A, %mul3A_6] : memref<2x320000xi32, #tpu.memory_space<hbm>> -> memref<1x10000xi32, #tpu.memory_space<hbm>>
      %dma_start3A_22 = tpu.memref_squeeze %dma_start3A : memref<1x10000xi32, #tpu.memory_space<hbm>> -> memref<10000xi32, #tpu.memory_space<hbm>>
      %dma_start3A_23 = tpu.memref_slice %arg2[%run_scoped3A, %mul3A_6] : memref<2x320000xi32, #tpu.memory_space<hbm>> -> memref<1x10000xi32, #tpu.memory_space<hbm>>
      %dma_start3A_24 = tpu.memref_squeeze %dma_start3A_23 : memref<1x10000xi32, #tpu.memory_space<hbm>> -> memref<10000xi32, #tpu.memory_space<hbm>>
      tpu.enqueue_dma source(%dma_start3A_24 : memref<10000xi32, #tpu.memory_space<hbm>>) target(%arg5 : memref<10000xi32, #tpu.memory_space<vmem>>) target_semaphore(%run_scoped3A_21 : memref<!tpu.dma_semaphore, #tpu.memory_space<semaphore_mem>>)
      %dma_wait3A = tpu.memref_slice %arg2[%run_scoped3A, %mul3A_6] : memref<2x320000xi32, #tpu.memory_space<hbm>> -> memref<1x10000xi32, #tpu.memory_space<hbm>>
      %dma_wait3A_25 = tpu.memref_squeeze %dma_wait3A : memref<1x10000xi32, #tpu.memory_space<hbm>> -> memref<10000xi32, #tpu.memory_space<hbm>>
      %dma_wait3A_26 = tpu.memref_slice %arg2[%run_scoped3A, %mul3A_6] : memref<2x320000xi32, #tpu.memory_space<hbm>> -> memref<1x10000xi32, #tpu.memory_space<hbm>>
      %dma_wait3A_27 = tpu.memref_squeeze %dma_wait3A_26 : memref<1x10000xi32, #tpu.memory_space<hbm>> -> memref<10000xi32, #tpu.memory_space<hbm>>
      tpu.wait_dma2 semaphore(%run_scoped3A_21 : memref<!tpu.dma_semaphore, #tpu.memory_space<semaphore_mem>>) src(%dma_wait3A_27 : memref<10000xi32, #tpu.memory_space<hbm>>) dst(%arg5 : memref<10000xi32, #tpu.memory_space<vmem>>)
      tpu.yield
    }) : () -> ()
    %barrier3A = arith.constant 0 : index
    tpu.barrier barrier_id(%barrier3A)
    %scan3A = arith.constant 0 : i32
    %scan3A_7 = arith.constant 5 : i32
    %scan3A_8 = arith.addi %scan3A, %scan3A_7 : i32
    %scan3A_9 = arith.constant 1 : i32
    scf.for %scan3A_21 = %scan3A to %scan3A_8 step %scan3A_9  : i32 {
      %mul3A_22 = arith.constant 1 : i32
      %mul3A_23 = arith.muli %scan3A_21, %mul3A_22 : i32
      %add3A_24 = arith.constant 0 : i32
      %add3A_25 = arith.addi %add3A_24, %mul3A_23 : i32
      %mul3A_26 = arith.constant 2000 : i32
      %mul3A_27 = arith.muli %add3A_25, %mul3A_26 : i32
      %dma_start3A = tpu.memref_slice %arg5[%mul3A_27] : memref<10000xi32, #tpu.memory_space<vmem>> -> memref<2000xi32, #tpu.memory_space<vmem>>
      %dma_start3A_28 = arith.constant 0 : i32
      %dma_start3A_29 = arith.constant 0 : i32
      %dma_start3A_30 = tpu.memref_slice %arg7[%dma_start3A_28, %dma_start3A_29] : memref<10240x16xf32, #tpu.memory_space<vmem_shared>> -> memref<10240x16xf32, #tpu.memory_space<vmem_shared>>
      tpu.enqueue_indirect_dma source(%arg6 : memref<2000x16xf32, #tpu.memory_space<vmem>>) target(%dma_start3A_30 : memref<10240x16xf32, #tpu.memory_space<vmem_shared>>) offsets(%dma_start3A : memref<2000xi32, #tpu.memory_space<vmem>>) semaphore(%arg8 : memref<!tpu.dma_semaphore, #tpu.memory_space<semaphore_mem>>) {add = true}
    }
    %scan3A_10 = arith.constant 5 : i32
    %scan3A_11 = arith.constant 0 : i32
    %scan3A_12 = arith.constant 5 : i32
    %scan3A_13 = arith.addi %scan3A_11, %scan3A_12 : i32
    %scan3A_14 = arith.constant 1 : i32
    scf.for %scan3A_21 = %scan3A_11 to %scan3A_13 step %scan3A_14  : i32 {
      %mul3A_22 = arith.constant 1 : i32
      %mul3A_23 = arith.muli %scan3A_21, %mul3A_22 : i32
      %add3A_24 = arith.constant 0 : i32
      %add3A_25 = arith.addi %add3A_24, %mul3A_23 : i32
      %mul3A_26 = arith.constant 2000 : i32
      %mul3A_27 = arith.muli %add3A_25, %mul3A_26 : i32
      %dma_wait3A = tpu.memref_slice %arg5[%mul3A_27] : memref<10000xi32, #tpu.memory_space<vmem>> -> memref<2000xi32, #tpu.memory_space<vmem>>
      %dma_wait3A_28 = arith.constant 0 : i32
      %dma_wait3A_29 = arith.constant 0 : i32
      %dma_wait3A_30 = tpu.memref_slice %arg7[%dma_wait3A_28, %dma_wait3A_29] : memref<10240x16xf32, #tpu.memory_space<vmem_shared>> -> memref<10240x16xf32, #tpu.memory_space<vmem_shared>>
      tpu.wait_indirect_dma semaphore(%arg8 : memref<!tpu.dma_semaphore, #tpu.memory_space<semaphore_mem>>) src(%arg6 : memref<2000x16xf32, #tpu.memory_space<vmem>>) dst(%dma_wait3A_30 : memref<10240x16xf32, #tpu.memory_space<vmem_shared>>)
    }
    %scan3A_15 = arith.constant 5 : i32
    %barrier3A_16 = arith.constant 0 : index
    tpu.barrier barrier_id(%barrier3A_16)
    %mul3A_17 = arith.constant 640 : i32
    %mul3A_18 = arith.muli %arg1, %mul3A_17 : i32
    %mul3A_19 = arith.constant 640 : i32
    %mul3A_20 = arith.muli %arg1, %mul3A_19 : i32
    "tpu.region"() ({
      %run_scoped3A_21 = tpu.sem_alloc : memref<!tpu.dma_semaphore, #tpu.memory_space<semaphore_mem>>
      %dma_start3A = arith.constant 0 : i32
      %dma_start3A_22 = tpu.memref_slice %arg4[%arg0, %mul3A_20, %dma_start3A] : memref<2x10240x16xf32, #tpu.memory_space<hbm>> -> memref<1x640x16xf32, #tpu.memory_space<hbm>>
      %dma_start3A_23 = tpu.memref_squeeze %dma_start3A_22 : memref<1x640x16xf32, #tpu.memory_space<hbm>> -> memref<640x16xf32, #tpu.memory_space<hbm>>
      %dma_start3A_24 = arith.constant 0 : i32
      %dma_start3A_25 = tpu.memref_slice %arg7[%mul3A_18, %dma_start3A_24] : memref<10240x16xf32, #tpu.memory_space<vmem_shared>> -> memref<640x16xf32, #tpu.memory_space<vmem_shared>>
      tpu.enqueue_dma source(%dma_start3A_25 : memref<640x16xf32, #tpu.memory_space<vmem_shared>>) target(%dma_start3A_23 : memref<640x16xf32, #tpu.memory_space<hbm>>) target_semaphore(%run_scoped3A_21 : memref<!tpu.dma_semaphore, #tpu.memory_space<semaphore_mem>>)
      %dma_wait3A = arith.constant 0 : i32
      %dma_wait3A_26 = tpu.memref_slice %arg4[%arg0, %mul3A_20, %dma_wait3A] : memref<2x10240x16xf32, #tpu.memory_space<hbm>> -> memref<1x640x16xf32, #tpu.memory_space<hbm>>
      %dma_wait3A_27 = tpu.memref_squeeze %dma_wait3A_26 : memref<1x640x16xf32, #tpu.memory_space<hbm>> -> memref<640x16xf32, #tpu.memory_space<hbm>>
      %dma_wait3A_28 = arith.constant 0 : i32
      %dma_wait3A_29 = tpu.memref_slice %arg7[%mul3A_18, %dma_wait3A_28] : memref<10240x16xf32, #tpu.memory_space<vmem_shared>> -> memref<640x16xf32, #tpu.memory_space<vmem_shared>>
      tpu.wait_dma2 semaphore(%run_scoped3A_21 : memref<!tpu.dma_semaphore, #tpu.memory_space<semaphore_mem>>) src(%dma_wait3A_29 : memref<640x16xf32, #tpu.memory_space<vmem_shared>>) dst(%dma_wait3A_27 : memref<640x16xf32, #tpu.memory_space<hbm>>)
      tpu.yield
    }) : () -> ()
    return
  }
}

#map = affine_map<(d0, d1) -> (0, 0)>
#map1 = affine_map<(d0, d1) -> (0, 0, 0)>
module attributes {stable_mosaic.version = 14 : i64} {
  func.func @_agg_body(%arg0: i32, %arg1: i32, %arg2: memref<10240x16xf32, #tpu.memory_space<hbm>>, %arg3: memref<2x320000xi32, #tpu.memory_space<hbm>>, %arg4: memref<2x10240x16xf32, #tpu.memory_space<hbm>>, %arg5: memref<10000xi32, #tpu.memory_space<vmem>>, %arg6: memref<10000xi32, #tpu.memory_space<vmem>>, %arg7: memref<2000x16xf32, #tpu.memory_space<vmem>>, %arg8: memref<2000x16xf32, #tpu.memory_space<vmem>>, %arg9: memref<10240x16xf32, #tpu.memory_space<vmem_shared>>, %arg10: memref<10240x16xf32, #tpu.memory_space<vmem_shared>>, %arg11: memref<!tpu.dma_semaphore, #tpu.memory_space<semaphore_mem>>, %arg12: memref<!tpu.dma_semaphore, #tpu.memory_space<semaphore_mem>>) attributes {dimension_semantics = [#tpu.dimension_semantics<core_parallel>, #tpu.dimension_semantics<subcore_parallel>], iteration_bounds = array<i64: 2, 16>, scalar_prefetch = 0 : i64, scratch_operands = 8 : i64, tpu.core_type = #tpu.core_type<sc_vector_subcore>, window_params = [{transform_indices = #map}, {transform_indices = #map}, {transform_indices = #map1}]} {
    %mul3A = arith.constant 2 : i32
    %mul3A_0 = arith.muli %arg1, %mul3A : i32
    %add3A = arith.addi %mul3A_0, %arg0 : i32
    %mul3A_1 = arith.constant 640 : i32
    %mul3A_2 = arith.muli %arg1, %mul3A_1 : i32
    %mul3A_3 = arith.constant 640 : i32
    %mul3A_4 = arith.muli %arg1, %mul3A_3 : i32
    %dma_start3A = arith.constant 0 : i32
    %dma_start3A_5 = tpu.memref_slice %arg9[%mul3A_4, %dma_start3A] : memref<10240x16xf32, #tpu.memory_space<vmem_shared>> -> memref<640x16xf32, #tpu.memory_space<vmem_shared>>
    %dma_start3A_6 = arith.constant 0 : i32
    %dma_start3A_7 = tpu.memref_slice %arg2[%mul3A_2, %dma_start3A_6] : memref<10240x16xf32, #tpu.memory_space<hbm>> -> memref<640x16xf32, #tpu.memory_space<hbm>>
    tpu.enqueue_dma source(%dma_start3A_7 : memref<640x16xf32, #tpu.memory_space<hbm>>) target(%dma_start3A_5 : memref<640x16xf32, #tpu.memory_space<vmem_shared>>) target_semaphore(%arg12 : memref<!tpu.dma_semaphore, #tpu.memory_space<semaphore_mem>>)
    %mul3A_8 = arith.constant 640 : i32
    %mul3A_9 = arith.muli %arg1, %mul3A_8 : i32
    %mul3A_10 = arith.constant 640 : i32
    %mul3A_11 = arith.muli %arg1, %mul3A_10 : i32
    %dma_start3A_12 = arith.constant 0 : i32
    %dma_start3A_13 = tpu.memref_slice %arg10[%mul3A_11, %dma_start3A_12] : memref<10240x16xf32, #tpu.memory_space<vmem_shared>> -> memref<640x16xf32, #tpu.memory_space<vmem_shared>>
    %dma_start3A_14 = arith.constant 0 : i32
    %dma_start3A_15 = tpu.memref_slice %arg2[%mul3A_9, %dma_start3A_14] : memref<10240x16xf32, #tpu.memory_space<hbm>> -> memref<640x16xf32, #tpu.memory_space<hbm>>
    tpu.enqueue_dma source(%dma_start3A_15 : memref<640x16xf32, #tpu.memory_space<hbm>>) target(%dma_start3A_13 : memref<640x16xf32, #tpu.memory_space<vmem_shared>>) target_semaphore(%arg11 : memref<!tpu.dma_semaphore, #tpu.memory_space<semaphore_mem>>)
    %mul3A_16 = arith.constant 10000 : i32
    %mul3A_17 = arith.muli %add3A, %mul3A_16 : i32
    %run_scoped3A = arith.constant 0 : i32
    "tpu.region"() ({
      %run_scoped3A_55 = tpu.sem_alloc : memref<!tpu.dma_semaphore, #tpu.memory_space<semaphore_mem>>
      %dma_start3A_56 = tpu.memref_slice %arg3[%run_scoped3A, %mul3A_17] : memref<2x320000xi32, #tpu.memory_space<hbm>> -> memref<1x10000xi32, #tpu.memory_space<hbm>>
      %dma_start3A_57 = tpu.memref_squeeze %dma_start3A_56 : memref<1x10000xi32, #tpu.memory_space<hbm>> -> memref<10000xi32, #tpu.memory_space<hbm>>
      %dma_start3A_58 = tpu.memref_slice %arg3[%run_scoped3A, %mul3A_17] : memref<2x320000xi32, #tpu.memory_space<hbm>> -> memref<1x10000xi32, #tpu.memory_space<hbm>>
      %dma_start3A_59 = tpu.memref_squeeze %dma_start3A_58 : memref<1x10000xi32, #tpu.memory_space<hbm>> -> memref<10000xi32, #tpu.memory_space<hbm>>
      tpu.enqueue_dma source(%dma_start3A_59 : memref<10000xi32, #tpu.memory_space<hbm>>) target(%arg5 : memref<10000xi32, #tpu.memory_space<vmem>>) target_semaphore(%run_scoped3A_55 : memref<!tpu.dma_semaphore, #tpu.memory_space<semaphore_mem>>)
      %dma_wait3A_60 = tpu.memref_slice %arg3[%run_scoped3A, %mul3A_17] : memref<2x320000xi32, #tpu.memory_space<hbm>> -> memref<1x10000xi32, #tpu.memory_space<hbm>>
      %dma_wait3A_61 = tpu.memref_squeeze %dma_wait3A_60 : memref<1x10000xi32, #tpu.memory_space<hbm>> -> memref<10000xi32, #tpu.memory_space<hbm>>
      %dma_wait3A_62 = tpu.memref_slice %arg3[%run_scoped3A, %mul3A_17] : memref<2x320000xi32, #tpu.memory_space<hbm>> -> memref<1x10000xi32, #tpu.memory_space<hbm>>
      %dma_wait3A_63 = tpu.memref_squeeze %dma_wait3A_62 : memref<1x10000xi32, #tpu.memory_space<hbm>> -> memref<10000xi32, #tpu.memory_space<hbm>>
      tpu.wait_dma2 semaphore(%run_scoped3A_55 : memref<!tpu.dma_semaphore, #tpu.memory_space<semaphore_mem>>) src(%dma_wait3A_63 : memref<10000xi32, #tpu.memory_space<hbm>>) dst(%arg5 : memref<10000xi32, #tpu.memory_space<vmem>>)
      tpu.yield
    }) : () -> ()
    %mul3A_18 = arith.constant 10000 : i32
    %mul3A_19 = arith.muli %add3A, %mul3A_18 : i32
    %run_scoped3A_20 = arith.constant 1 : i32
    "tpu.region"() ({
      %run_scoped3A_55 = tpu.sem_alloc : memref<!tpu.dma_semaphore, #tpu.memory_space<semaphore_mem>>
      %dma_start3A_56 = tpu.memref_slice %arg3[%run_scoped3A_20, %mul3A_19] : memref<2x320000xi32, #tpu.memory_space<hbm>> -> memref<1x10000xi32, #tpu.memory_space<hbm>>
      %dma_start3A_57 = tpu.memref_squeeze %dma_start3A_56 : memref<1x10000xi32, #tpu.memory_space<hbm>> -> memref<10000xi32, #tpu.memory_space<hbm>>
      %dma_start3A_58 = tpu.memref_slice %arg3[%run_scoped3A_20, %mul3A_19] : memref<2x320000xi32, #tpu.memory_space<hbm>> -> memref<1x10000xi32, #tpu.memory_space<hbm>>
      %dma_start3A_59 = tpu.memref_squeeze %dma_start3A_58 : memref<1x10000xi32, #tpu.memory_space<hbm>> -> memref<10000xi32, #tpu.memory_space<hbm>>
      tpu.enqueue_dma source(%dma_start3A_59 : memref<10000xi32, #tpu.memory_space<hbm>>) target(%arg6 : memref<10000xi32, #tpu.memory_space<vmem>>) target_semaphore(%run_scoped3A_55 : memref<!tpu.dma_semaphore, #tpu.memory_space<semaphore_mem>>)
      %dma_wait3A_60 = tpu.memref_slice %arg3[%run_scoped3A_20, %mul3A_19] : memref<2x320000xi32, #tpu.memory_space<hbm>> -> memref<1x10000xi32, #tpu.memory_space<hbm>>
      %dma_wait3A_61 = tpu.memref_squeeze %dma_wait3A_60 : memref<1x10000xi32, #tpu.memory_space<hbm>> -> memref<10000xi32, #tpu.memory_space<hbm>>
      %dma_wait3A_62 = tpu.memref_slice %arg3[%run_scoped3A_20, %mul3A_19] : memref<2x320000xi32, #tpu.memory_space<hbm>> -> memref<1x10000xi32, #tpu.memory_space<hbm>>
      %dma_wait3A_63 = tpu.memref_squeeze %dma_wait3A_62 : memref<1x10000xi32, #tpu.memory_space<hbm>> -> memref<10000xi32, #tpu.memory_space<hbm>>
      tpu.wait_dma2 semaphore(%run_scoped3A_55 : memref<!tpu.dma_semaphore, #tpu.memory_space<semaphore_mem>>) src(%dma_wait3A_63 : memref<10000xi32, #tpu.memory_space<hbm>>) dst(%arg6 : memref<10000xi32, #tpu.memory_space<vmem>>)
      tpu.yield
    }) : () -> ()
    %mul3A_21 = arith.constant 640 : i32
    %mul3A_22 = arith.muli %arg1, %mul3A_21 : i32
    %mul3A_23 = arith.constant 640 : i32
    %mul3A_24 = arith.muli %arg1, %mul3A_23 : i32
    %dma_wait3A = arith.constant 0 : i32
    %dma_wait3A_25 = tpu.memref_slice %arg9[%mul3A_24, %dma_wait3A] : memref<10240x16xf32, #tpu.memory_space<vmem_shared>> -> memref<640x16xf32, #tpu.memory_space<vmem_shared>>
    %dma_wait3A_26 = arith.constant 0 : i32
    %dma_wait3A_27 = tpu.memref_slice %arg2[%mul3A_22, %dma_wait3A_26] : memref<10240x16xf32, #tpu.memory_space<hbm>> -> memref<640x16xf32, #tpu.memory_space<hbm>>
    tpu.wait_dma2 semaphore(%arg12 : memref<!tpu.dma_semaphore, #tpu.memory_space<semaphore_mem>>) src(%dma_wait3A_27 : memref<640x16xf32, #tpu.memory_space<hbm>>) dst(%dma_wait3A_25 : memref<640x16xf32, #tpu.memory_space<vmem_shared>>)
    %mul3A_28 = arith.constant 640 : i32
    %mul3A_29 = arith.muli %arg1, %mul3A_28 : i32
    %mul3A_30 = arith.constant 640 : i32
    %mul3A_31 = arith.muli %arg1, %mul3A_30 : i32
    %dma_wait3A_32 = arith.constant 0 : i32
    %dma_wait3A_33 = tpu.memref_slice %arg10[%mul3A_31, %dma_wait3A_32] : memref<10240x16xf32, #tpu.memory_space<vmem_shared>> -> memref<640x16xf32, #tpu.memory_space<vmem_shared>>
    %dma_wait3A_34 = arith.constant 0 : i32
    %dma_wait3A_35 = tpu.memref_slice %arg2[%mul3A_29, %dma_wait3A_34] : memref<10240x16xf32, #tpu.memory_space<hbm>> -> memref<640x16xf32, #tpu.memory_space<hbm>>
    tpu.wait_dma2 semaphore(%arg11 : memref<!tpu.dma_semaphore, #tpu.memory_space<semaphore_mem>>) src(%dma_wait3A_35 : memref<640x16xf32, #tpu.memory_space<hbm>>) dst(%dma_wait3A_33 : memref<640x16xf32, #tpu.memory_space<vmem_shared>>)
    %barrier3A = arith.constant 0 : index
    tpu.barrier barrier_id(%barrier3A)
    %dma_start3A_36 = arith.constant 0 : i32
    %dma_start3A_37 = tpu.memref_slice %arg5[%dma_start3A_36] : memref<10000xi32, #tpu.memory_space<vmem>> -> memref<2000xi32, #tpu.memory_space<vmem>>
    %dma_start3A_38 = arith.constant 0 : i32
    %dma_start3A_39 = arith.constant 0 : i32
    %dma_start3A_40 = tpu.memref_slice %arg9[%dma_start3A_38, %dma_start3A_39] : memref<10240x16xf32, #tpu.memory_space<vmem_shared>> -> memref<10240x16xf32, #tpu.memory_space<vmem_shared>>
    tpu.enqueue_indirect_dma source(%dma_start3A_40 : memref<10240x16xf32, #tpu.memory_space<vmem_shared>>) target(%arg7 : memref<2000x16xf32, #tpu.memory_space<vmem>>) offsets(%dma_start3A_37 : memref<2000xi32, #tpu.memory_space<vmem>>) semaphore(%arg11 : memref<!tpu.dma_semaphore, #tpu.memory_space<semaphore_mem>>)
    %scan3A = arith.constant 0 : i32
    %scan3A_41 = arith.constant 2 : i32
    %scan3A_42 = arith.addi %scan3A, %scan3A_41 : i32
    %scan3A_43 = arith.constant 1 : i32
    scf.for %scan3A_55 = %scan3A to %scan3A_42 step %scan3A_43  : i32 {
      %mul3A_56 = arith.constant 2 : i32
      %mul3A_57 = arith.muli %scan3A_55, %mul3A_56 : i32
      %add3A_58 = arith.constant 0 : i32
      %add3A_59 = arith.addi %add3A_58, %mul3A_57 : i32
      %add3A_60 = arith.constant 1 : i32
      %add3A_61 = arith.addi %add3A_59, %add3A_60 : i32
      %mul3A_62 = arith.constant 2000 : i32
      %mul3A_63 = arith.muli %add3A_61, %mul3A_62 : i32
      %dma_start3A_64 = tpu.memref_slice %arg5[%mul3A_63] : memref<10000xi32, #tpu.memory_space<vmem>> -> memref<2000xi32, #tpu.memory_space<vmem>>
      %dma_start3A_65 = arith.constant 0 : i32
      %dma_start3A_66 = arith.constant 0 : i32
      %dma_start3A_67 = tpu.memref_slice %arg9[%dma_start3A_65, %dma_start3A_66] : memref<10240x16xf32, #tpu.memory_space<vmem_shared>> -> memref<10240x16xf32, #tpu.memory_space<vmem_shared>>
      tpu.enqueue_indirect_dma source(%dma_start3A_67 : memref<10240x16xf32, #tpu.memory_space<vmem_shared>>) target(%arg8 : memref<2000x16xf32, #tpu.memory_space<vmem>>) offsets(%dma_start3A_64 : memref<2000xi32, #tpu.memory_space<vmem>>) semaphore(%arg12 : memref<!tpu.dma_semaphore, #tpu.memory_space<semaphore_mem>>)
      %mul3A_68 = arith.constant 2000 : i32
      %mul3A_69 = arith.muli %add3A_59, %mul3A_68 : i32
      %dma_wait3A_70 = tpu.memref_slice %arg5[%mul3A_69] : memref<10000xi32, #tpu.memory_space<vmem>> -> memref<2000xi32, #tpu.memory_space<vmem>>
      %dma_wait3A_71 = arith.constant 0 : i32
      %dma_wait3A_72 = arith.constant 0 : i32
      %dma_wait3A_73 = tpu.memref_slice %arg9[%dma_wait3A_71, %dma_wait3A_72] : memref<10240x16xf32, #tpu.memory_space<vmem_shared>> -> memref<10240x16xf32, #tpu.memory_space<vmem_shared>>
      tpu.wait_indirect_dma semaphore(%arg11 : memref<!tpu.dma_semaphore, #tpu.memory_space<semaphore_mem>>) src(%dma_wait3A_73 : memref<10240x16xf32, #tpu.memory_space<vmem_shared>>) dst(%arg7 : memref<2000x16xf32, #tpu.memory_space<vmem>>)
      %mul3A_74 = arith.constant 2000 : i32
      %mul3A_75 = arith.muli %add3A_59, %mul3A_74 : i32
      "tpu.region"() ({
        %run_scoped3A_96 = tpu.sem_alloc : memref<!tpu.dma_semaphore, #tpu.memory_space<semaphore_mem>>
        %dma_start3A_97 = tpu.memref_slice %arg6[%mul3A_75] : memref<10000xi32, #tpu.memory_space<vmem>> -> memref<2000xi32, #tpu.memory_space<vmem>>
        %dma_start3A_98 = arith.constant 0 : i32
        %dma_start3A_99 = arith.constant 0 : i32
        %dma_start3A_100 = tpu.memref_slice %arg10[%dma_start3A_98, %dma_start3A_99] : memref<10240x16xf32, #tpu.memory_space<vmem_shared>> -> memref<10240x16xf32, #tpu.memory_space<vmem_shared>>
        tpu.enqueue_indirect_dma source(%arg7 : memref<2000x16xf32, #tpu.memory_space<vmem>>) target(%dma_start3A_100 : memref<10240x16xf32, #tpu.memory_space<vmem_shared>>) offsets(%dma_start3A_97 : memref<2000xi32, #tpu.memory_space<vmem>>) semaphore(%run_scoped3A_96 : memref<!tpu.dma_semaphore, #tpu.memory_space<semaphore_mem>>) {add = true}
        %dma_wait3A_101 = tpu.memref_slice %arg6[%mul3A_75] : memref<10000xi32, #tpu.memory_space<vmem>> -> memref<2000xi32, #tpu.memory_space<vmem>>
        %dma_wait3A_102 = arith.constant 0 : i32
        %dma_wait3A_103 = arith.constant 0 : i32
        %dma_wait3A_104 = tpu.memref_slice %arg10[%dma_wait3A_102, %dma_wait3A_103] : memref<10240x16xf32, #tpu.memory_space<vmem_shared>> -> memref<10240x16xf32, #tpu.memory_space<vmem_shared>>
        tpu.wait_indirect_dma semaphore(%run_scoped3A_96 : memref<!tpu.dma_semaphore, #tpu.memory_space<semaphore_mem>>) src(%arg7 : memref<2000x16xf32, #tpu.memory_space<vmem>>) dst(%dma_wait3A_104 : memref<10240x16xf32, #tpu.memory_space<vmem_shared>>)
        tpu.yield
      }) : () -> ()
      %add3A_76 = arith.constant 2 : i32
      %add3A_77 = arith.addi %add3A_59, %add3A_76 : i32
      %mul3A_78 = arith.constant 2000 : i32
      %mul3A_79 = arith.muli %add3A_77, %mul3A_78 : i32
      %dma_start3A_80 = tpu.memref_slice %arg5[%mul3A_79] : memref<10000xi32, #tpu.memory_space<vmem>> -> memref<2000xi32, #tpu.memory_space<vmem>>
      %dma_start3A_81 = arith.constant 0 : i32
      %dma_start3A_82 = arith.constant 0 : i32
      %dma_start3A_83 = tpu.memref_slice %arg9[%dma_start3A_81, %dma_start3A_82] : memref<10240x16xf32, #tpu.memory_space<vmem_shared>> -> memref<10240x16xf32, #tpu.memory_space<vmem_shared>>
      tpu.enqueue_indirect_dma source(%dma_start3A_83 : memref<10240x16xf32, #tpu.memory_space<vmem_shared>>) target(%arg7 : memref<2000x16xf32, #tpu.memory_space<vmem>>) offsets(%dma_start3A_80 : memref<2000xi32, #tpu.memory_space<vmem>>) semaphore(%arg11 : memref<!tpu.dma_semaphore, #tpu.memory_space<semaphore_mem>>)
      %add3A_84 = arith.constant 1 : i32
      %add3A_85 = arith.addi %add3A_59, %add3A_84 : i32
      %mul3A_86 = arith.constant 2000 : i32
      %mul3A_87 = arith.muli %add3A_85, %mul3A_86 : i32
      %dma_wait3A_88 = tpu.memref_slice %arg5[%mul3A_87] : memref<10000xi32, #tpu.memory_space<vmem>> -> memref<2000xi32, #tpu.memory_space<vmem>>
      %dma_wait3A_89 = arith.constant 0 : i32
      %dma_wait3A_90 = arith.constant 0 : i32
      %dma_wait3A_91 = tpu.memref_slice %arg9[%dma_wait3A_89, %dma_wait3A_90] : memref<10240x16xf32, #tpu.memory_space<vmem_shared>> -> memref<10240x16xf32, #tpu.memory_space<vmem_shared>>
      tpu.wait_indirect_dma semaphore(%arg12 : memref<!tpu.dma_semaphore, #tpu.memory_space<semaphore_mem>>) src(%dma_wait3A_91 : memref<10240x16xf32, #tpu.memory_space<vmem_shared>>) dst(%arg8 : memref<2000x16xf32, #tpu.memory_space<vmem>>)
      %add3A_92 = arith.constant 1 : i32
      %add3A_93 = arith.addi %add3A_59, %add3A_92 : i32
      %mul3A_94 = arith.constant 2000 : i32
      %mul3A_95 = arith.muli %add3A_93, %mul3A_94 : i32
      "tpu.region"() ({
        %run_scoped3A_96 = tpu.sem_alloc : memref<!tpu.dma_semaphore, #tpu.memory_space<semaphore_mem>>
        %dma_start3A_97 = tpu.memref_slice %arg6[%mul3A_95] : memref<10000xi32, #tpu.memory_space<vmem>> -> memref<2000xi32, #tpu.memory_space<vmem>>
        %dma_start3A_98 = arith.constant 0 : i32
        %dma_start3A_99 = arith.constant 0 : i32
        %dma_start3A_100 = tpu.memref_slice %arg10[%dma_start3A_98, %dma_start3A_99] : memref<10240x16xf32, #tpu.memory_space<vmem_shared>> -> memref<10240x16xf32, #tpu.memory_space<vmem_shared>>
        tpu.enqueue_indirect_dma source(%arg8 : memref<2000x16xf32, #tpu.memory_space<vmem>>) target(%dma_start3A_100 : memref<10240x16xf32, #tpu.memory_space<vmem_shared>>) offsets(%dma_start3A_97 : memref<2000xi32, #tpu.memory_space<vmem>>) semaphore(%run_scoped3A_96 : memref<!tpu.dma_semaphore, #tpu.memory_space<semaphore_mem>>) {add = true}
        %dma_wait3A_101 = tpu.memref_slice %arg6[%mul3A_95] : memref<10000xi32, #tpu.memory_space<vmem>> -> memref<2000xi32, #tpu.memory_space<vmem>>
        %dma_wait3A_102 = arith.constant 0 : i32
        %dma_wait3A_103 = arith.constant 0 : i32
        %dma_wait3A_104 = tpu.memref_slice %arg10[%dma_wait3A_102, %dma_wait3A_103] : memref<10240x16xf32, #tpu.memory_space<vmem_shared>> -> memref<10240x16xf32, #tpu.memory_space<vmem_shared>>
        tpu.wait_indirect_dma semaphore(%run_scoped3A_96 : memref<!tpu.dma_semaphore, #tpu.memory_space<semaphore_mem>>) src(%arg8 : memref<2000x16xf32, #tpu.memory_space<vmem>>) dst(%dma_wait3A_104 : memref<10240x16xf32, #tpu.memory_space<vmem_shared>>)
        tpu.yield
      }) : () -> ()
    }
    %scan3A_44 = arith.constant 2 : i32
    %dma_wait3A_45 = arith.constant 8000 : i32
    %dma_wait3A_46 = tpu.memref_slice %arg5[%dma_wait3A_45] : memref<10000xi32, #tpu.memory_space<vmem>> -> memref<2000xi32, #tpu.memory_space<vmem>>
    %dma_wait3A_47 = arith.constant 0 : i32
    %dma_wait3A_48 = arith.constant 0 : i32
    %dma_wait3A_49 = tpu.memref_slice %arg9[%dma_wait3A_47, %dma_wait3A_48] : memref<10240x16xf32, #tpu.memory_space<vmem_shared>> -> memref<10240x16xf32, #tpu.memory_space<vmem_shared>>
    tpu.wait_indirect_dma semaphore(%arg11 : memref<!tpu.dma_semaphore, #tpu.memory_space<semaphore_mem>>) src(%dma_wait3A_49 : memref<10240x16xf32, #tpu.memory_space<vmem_shared>>) dst(%arg7 : memref<2000x16xf32, #tpu.memory_space<vmem>>)
    "tpu.region"() ({
      %run_scoped3A_55 = tpu.sem_alloc : memref<!tpu.dma_semaphore, #tpu.memory_space<semaphore_mem>>
      %dma_start3A_56 = arith.constant 8000 : i32
      %dma_start3A_57 = tpu.memref_slice %arg6[%dma_start3A_56] : memref<10000xi32, #tpu.memory_space<vmem>> -> memref<2000xi32, #tpu.memory_space<vmem>>
      %dma_start3A_58 = arith.constant 0 : i32
      %dma_start3A_59 = arith.constant 0 : i32
      %dma_start3A_60 = tpu.memref_slice %arg10[%dma_start3A_58, %dma_start3A_59] : memref<10240x16xf32, #tpu.memory_space<vmem_shared>> -> memref<10240x16xf32, #tpu.memory_space<vmem_shared>>
      tpu.enqueue_indirect_dma source(%arg7 : memref<2000x16xf32, #tpu.memory_space<vmem>>) target(%dma_start3A_60 : memref<10240x16xf32, #tpu.memory_space<vmem_shared>>) offsets(%dma_start3A_57 : memref<2000xi32, #tpu.memory_space<vmem>>) semaphore(%run_scoped3A_55 : memref<!tpu.dma_semaphore, #tpu.memory_space<semaphore_mem>>) {add = true}
      %dma_wait3A_61 = arith.constant 8000 : i32
      %dma_wait3A_62 = tpu.memref_slice %arg6[%dma_wait3A_61] : memref<10000xi32, #tpu.memory_space<vmem>> -> memref<2000xi32, #tpu.memory_space<vmem>>
      %dma_wait3A_63 = arith.constant 0 : i32
      %dma_wait3A_64 = arith.constant 0 : i32
      %dma_wait3A_65 = tpu.memref_slice %arg10[%dma_wait3A_63, %dma_wait3A_64] : memref<10240x16xf32, #tpu.memory_space<vmem_shared>> -> memref<10240x16xf32, #tpu.memory_space<vmem_shared>>
      tpu.wait_indirect_dma semaphore(%run_scoped3A_55 : memref<!tpu.dma_semaphore, #tpu.memory_space<semaphore_mem>>) src(%arg7 : memref<2000x16xf32, #tpu.memory_space<vmem>>) dst(%dma_wait3A_65 : memref<10240x16xf32, #tpu.memory_space<vmem_shared>>)
      tpu.yield
    }) : () -> ()
    %barrier3A_50 = arith.constant 0 : index
    tpu.barrier barrier_id(%barrier3A_50)
    %mul3A_51 = arith.constant 640 : i32
    %mul3A_52 = arith.muli %arg1, %mul3A_51 : i32
    %mul3A_53 = arith.constant 640 : i32
    %mul3A_54 = arith.muli %arg1, %mul3A_53 : i32
    "tpu.region"() ({
      %run_scoped3A_55 = tpu.sem_alloc : memref<!tpu.dma_semaphore, #tpu.memory_space<semaphore_mem>>
      %dma_start3A_56 = arith.constant 0 : i32
      %dma_start3A_57 = tpu.memref_slice %arg4[%arg0, %mul3A_54, %dma_start3A_56] : memref<2x10240x16xf32, #tpu.memory_space<hbm>> -> memref<1x640x16xf32, #tpu.memory_space<hbm>>
      %dma_start3A_58 = tpu.memref_squeeze %dma_start3A_57 : memref<1x640x16xf32, #tpu.memory_space<hbm>> -> memref<640x16xf32, #tpu.memory_space<hbm>>
      %dma_start3A_59 = arith.constant 0 : i32
      %dma_start3A_60 = tpu.memref_slice %arg10[%mul3A_52, %dma_start3A_59] : memref<10240x16xf32, #tpu.memory_space<vmem_shared>> -> memref<640x16xf32, #tpu.memory_space<vmem_shared>>
      tpu.enqueue_dma source(%dma_start3A_60 : memref<640x16xf32, #tpu.memory_space<vmem_shared>>) target(%dma_start3A_58 : memref<640x16xf32, #tpu.memory_space<hbm>>) target_semaphore(%run_scoped3A_55 : memref<!tpu.dma_semaphore, #tpu.memory_space<semaphore_mem>>)
      %dma_wait3A_61 = arith.constant 0 : i32
      %dma_wait3A_62 = tpu.memref_slice %arg4[%arg0, %mul3A_54, %dma_wait3A_61] : memref<2x10240x16xf32, #tpu.memory_space<hbm>> -> memref<1x640x16xf32, #tpu.memory_space<hbm>>
      %dma_wait3A_63 = tpu.memref_squeeze %dma_wait3A_62 : memref<1x640x16xf32, #tpu.memory_space<hbm>> -> memref<640x16xf32, #tpu.memory_space<hbm>>
      %dma_wait3A_64 = arith.constant 0 : i32
      %dma_wait3A_65 = tpu.memref_slice %arg10[%mul3A_52, %dma_wait3A_64] : memref<10240x16xf32, #tpu.memory_space<vmem_shared>> -> memref<640x16xf32, #tpu.memory_space<vmem_shared>>
      tpu.wait_dma2 semaphore(%run_scoped3A_55 : memref<!tpu.dma_semaphore, #tpu.memory_space<semaphore_mem>>) src(%dma_wait3A_65 : memref<640x16xf32, #tpu.memory_space<vmem_shared>>) dst(%dma_wait3A_63 : memref<640x16xf32, #tpu.memory_space<hbm>>)
      tpu.yield
    }) : () -> ()
    return
  }
}

#map = affine_map<(d0, d1) -> (0, 0)>
#map1 = affine_map<(d0, d1) -> (0, 0, 0)>
module attributes {stable_mosaic.version = 14 : i64} {
  func.func @_agg_body(%arg0: i32, %arg1: i32, %arg2: memref<10240x16xf32, #tpu.memory_space<hbm>>, %arg3: memref<2x320000xi32, #tpu.memory_space<hbm>>, %arg4: memref<2x10240x16xf32, #tpu.memory_space<hbm>>, %arg5: memref<10000xi32, #tpu.memory_space<vmem>>, %arg6: memref<10000xi32, #tpu.memory_space<vmem>>, %arg7: memref<2000x16xf32, #tpu.memory_space<vmem>>, %arg8: memref<2000x16xf32, #tpu.memory_space<vmem>>, %arg9: memref<10240x16xf32, #tpu.memory_space<vmem_shared>>, %arg10: memref<10240x16xf32, #tpu.memory_space<vmem_shared>>, %arg11: memref<!tpu.dma_semaphore, #tpu.memory_space<semaphore_mem>>, %arg12: memref<!tpu.dma_semaphore, #tpu.memory_space<semaphore_mem>>) attributes {dimension_semantics = [#tpu.dimension_semantics<core_parallel>, #tpu.dimension_semantics<subcore_parallel>], iteration_bounds = array<i64: 2, 16>, scalar_prefetch = 0 : i64, scratch_operands = 8 : i64, tpu.core_type = #tpu.core_type<sc_vector_subcore>, window_params = [{transform_indices = #map}, {transform_indices = #map}, {transform_indices = #map1}]} {
    %mul3A = arith.constant 2 : i32
    %mul3A_0 = arith.muli %arg1, %mul3A : i32
    %add3A = arith.addi %mul3A_0, %arg0 : i32
    %mul3A_1 = arith.constant 640 : i32
    %mul3A_2 = arith.muli %arg1, %mul3A_1 : i32
    %mul3A_3 = arith.constant 640 : i32
    %mul3A_4 = arith.muli %arg1, %mul3A_3 : i32
    %dma_start3A = arith.constant 0 : i32
    %dma_start3A_5 = tpu.memref_slice %arg9[%mul3A_4, %dma_start3A] : memref<10240x16xf32, #tpu.memory_space<vmem_shared>> -> memref<640x16xf32, #tpu.memory_space<vmem_shared>>
    %dma_start3A_6 = arith.constant 0 : i32
    %dma_start3A_7 = tpu.memref_slice %arg2[%mul3A_2, %dma_start3A_6] : memref<10240x16xf32, #tpu.memory_space<hbm>> -> memref<640x16xf32, #tpu.memory_space<hbm>>
    tpu.enqueue_dma source(%dma_start3A_7 : memref<640x16xf32, #tpu.memory_space<hbm>>) target(%dma_start3A_5 : memref<640x16xf32, #tpu.memory_space<vmem_shared>>) target_semaphore(%arg12 : memref<!tpu.dma_semaphore, #tpu.memory_space<semaphore_mem>>)
    %mul3A_8 = arith.constant 640 : i32
    %mul3A_9 = arith.muli %arg1, %mul3A_8 : i32
    %mul3A_10 = arith.constant 640 : i32
    %mul3A_11 = arith.muli %arg1, %mul3A_10 : i32
    %dma_start3A_12 = arith.constant 0 : i32
    %dma_start3A_13 = tpu.memref_slice %arg10[%mul3A_11, %dma_start3A_12] : memref<10240x16xf32, #tpu.memory_space<vmem_shared>> -> memref<640x16xf32, #tpu.memory_space<vmem_shared>>
    %dma_start3A_14 = arith.constant 0 : i32
    %dma_start3A_15 = tpu.memref_slice %arg2[%mul3A_9, %dma_start3A_14] : memref<10240x16xf32, #tpu.memory_space<hbm>> -> memref<640x16xf32, #tpu.memory_space<hbm>>
    tpu.enqueue_dma source(%dma_start3A_15 : memref<640x16xf32, #tpu.memory_space<hbm>>) target(%dma_start3A_13 : memref<640x16xf32, #tpu.memory_space<vmem_shared>>) target_semaphore(%arg11 : memref<!tpu.dma_semaphore, #tpu.memory_space<semaphore_mem>>)
    %mul3A_16 = arith.constant 10000 : i32
    %mul3A_17 = arith.muli %add3A, %mul3A_16 : i32
    %run_scoped3A = arith.constant 0 : i32
    "tpu.region"() ({
      %run_scoped3A_55 = tpu.sem_alloc : memref<!tpu.dma_semaphore, #tpu.memory_space<semaphore_mem>>
      %dma_start3A_56 = tpu.memref_slice %arg3[%run_scoped3A, %mul3A_17] : memref<2x320000xi32, #tpu.memory_space<hbm>> -> memref<1x10000xi32, #tpu.memory_space<hbm>>
      %dma_start3A_57 = tpu.memref_squeeze %dma_start3A_56 : memref<1x10000xi32, #tpu.memory_space<hbm>> -> memref<10000xi32, #tpu.memory_space<hbm>>
      %dma_start3A_58 = tpu.memref_slice %arg3[%run_scoped3A, %mul3A_17] : memref<2x320000xi32, #tpu.memory_space<hbm>> -> memref<1x10000xi32, #tpu.memory_space<hbm>>
      %dma_start3A_59 = tpu.memref_squeeze %dma_start3A_58 : memref<1x10000xi32, #tpu.memory_space<hbm>> -> memref<10000xi32, #tpu.memory_space<hbm>>
      tpu.enqueue_dma source(%dma_start3A_59 : memref<10000xi32, #tpu.memory_space<hbm>>) target(%arg5 : memref<10000xi32, #tpu.memory_space<vmem>>) target_semaphore(%run_scoped3A_55 : memref<!tpu.dma_semaphore, #tpu.memory_space<semaphore_mem>>)
      %dma_wait3A_60 = tpu.memref_slice %arg3[%run_scoped3A, %mul3A_17] : memref<2x320000xi32, #tpu.memory_space<hbm>> -> memref<1x10000xi32, #tpu.memory_space<hbm>>
      %dma_wait3A_61 = tpu.memref_squeeze %dma_wait3A_60 : memref<1x10000xi32, #tpu.memory_space<hbm>> -> memref<10000xi32, #tpu.memory_space<hbm>>
      %dma_wait3A_62 = tpu.memref_slice %arg3[%run_scoped3A, %mul3A_17] : memref<2x320000xi32, #tpu.memory_space<hbm>> -> memref<1x10000xi32, #tpu.memory_space<hbm>>
      %dma_wait3A_63 = tpu.memref_squeeze %dma_wait3A_62 : memref<1x10000xi32, #tpu.memory_space<hbm>> -> memref<10000xi32, #tpu.memory_space<hbm>>
      tpu.wait_dma2 semaphore(%run_scoped3A_55 : memref<!tpu.dma_semaphore, #tpu.memory_space<semaphore_mem>>) src(%dma_wait3A_63 : memref<10000xi32, #tpu.memory_space<hbm>>) dst(%arg5 : memref<10000xi32, #tpu.memory_space<vmem>>)
      tpu.yield
    }) : () -> ()
    %mul3A_18 = arith.constant 10000 : i32
    %mul3A_19 = arith.muli %add3A, %mul3A_18 : i32
    %run_scoped3A_20 = arith.constant 1 : i32
    "tpu.region"() ({
      %run_scoped3A_55 = tpu.sem_alloc : memref<!tpu.dma_semaphore, #tpu.memory_space<semaphore_mem>>
      %dma_start3A_56 = tpu.memref_slice %arg3[%run_scoped3A_20, %mul3A_19] : memref<2x320000xi32, #tpu.memory_space<hbm>> -> memref<1x10000xi32, #tpu.memory_space<hbm>>
      %dma_start3A_57 = tpu.memref_squeeze %dma_start3A_56 : memref<1x10000xi32, #tpu.memory_space<hbm>> -> memref<10000xi32, #tpu.memory_space<hbm>>
      %dma_start3A_58 = tpu.memref_slice %arg3[%run_scoped3A_20, %mul3A_19] : memref<2x320000xi32, #tpu.memory_space<hbm>> -> memref<1x10000xi32, #tpu.memory_space<hbm>>
      %dma_start3A_59 = tpu.memref_squeeze %dma_start3A_58 : memref<1x10000xi32, #tpu.memory_space<hbm>> -> memref<10000xi32, #tpu.memory_space<hbm>>
      tpu.enqueue_dma source(%dma_start3A_59 : memref<10000xi32, #tpu.memory_space<hbm>>) target(%arg6 : memref<10000xi32, #tpu.memory_space<vmem>>) target_semaphore(%run_scoped3A_55 : memref<!tpu.dma_semaphore, #tpu.memory_space<semaphore_mem>>)
      %dma_wait3A_60 = tpu.memref_slice %arg3[%run_scoped3A_20, %mul3A_19] : memref<2x320000xi32, #tpu.memory_space<hbm>> -> memref<1x10000xi32, #tpu.memory_space<hbm>>
      %dma_wait3A_61 = tpu.memref_squeeze %dma_wait3A_60 : memref<1x10000xi32, #tpu.memory_space<hbm>> -> memref<10000xi32, #tpu.memory_space<hbm>>
      %dma_wait3A_62 = tpu.memref_slice %arg3[%run_scoped3A_20, %mul3A_19] : memref<2x320000xi32, #tpu.memory_space<hbm>> -> memref<1x10000xi32, #tpu.memory_space<hbm>>
      %dma_wait3A_63 = tpu.memref_squeeze %dma_wait3A_62 : memref<1x10000xi32, #tpu.memory_space<hbm>> -> memref<10000xi32, #tpu.memory_space<hbm>>
      tpu.wait_dma2 semaphore(%run_scoped3A_55 : memref<!tpu.dma_semaphore, #tpu.memory_space<semaphore_mem>>) src(%dma_wait3A_63 : memref<10000xi32, #tpu.memory_space<hbm>>) dst(%arg6 : memref<10000xi32, #tpu.memory_space<vmem>>)
      tpu.yield
    }) : () -> ()
    %mul3A_21 = arith.constant 640 : i32
    %mul3A_22 = arith.muli %arg1, %mul3A_21 : i32
    %mul3A_23 = arith.constant 640 : i32
    %mul3A_24 = arith.muli %arg1, %mul3A_23 : i32
    %dma_wait3A = arith.constant 0 : i32
    %dma_wait3A_25 = tpu.memref_slice %arg9[%mul3A_24, %dma_wait3A] : memref<10240x16xf32, #tpu.memory_space<vmem_shared>> -> memref<640x16xf32, #tpu.memory_space<vmem_shared>>
    %dma_wait3A_26 = arith.constant 0 : i32
    %dma_wait3A_27 = tpu.memref_slice %arg2[%mul3A_22, %dma_wait3A_26] : memref<10240x16xf32, #tpu.memory_space<hbm>> -> memref<640x16xf32, #tpu.memory_space<hbm>>
    tpu.wait_dma2 semaphore(%arg12 : memref<!tpu.dma_semaphore, #tpu.memory_space<semaphore_mem>>) src(%dma_wait3A_27 : memref<640x16xf32, #tpu.memory_space<hbm>>) dst(%dma_wait3A_25 : memref<640x16xf32, #tpu.memory_space<vmem_shared>>)
    %mul3A_28 = arith.constant 640 : i32
    %mul3A_29 = arith.muli %arg1, %mul3A_28 : i32
    %mul3A_30 = arith.constant 640 : i32
    %mul3A_31 = arith.muli %arg1, %mul3A_30 : i32
    %dma_wait3A_32 = arith.constant 0 : i32
    %dma_wait3A_33 = tpu.memref_slice %arg10[%mul3A_31, %dma_wait3A_32] : memref<10240x16xf32, #tpu.memory_space<vmem_shared>> -> memref<640x16xf32, #tpu.memory_space<vmem_shared>>
    %dma_wait3A_34 = arith.constant 0 : i32
    %dma_wait3A_35 = tpu.memref_slice %arg2[%mul3A_29, %dma_wait3A_34] : memref<10240x16xf32, #tpu.memory_space<hbm>> -> memref<640x16xf32, #tpu.memory_space<hbm>>
    tpu.wait_dma2 semaphore(%arg11 : memref<!tpu.dma_semaphore, #tpu.memory_space<semaphore_mem>>) src(%dma_wait3A_35 : memref<640x16xf32, #tpu.memory_space<hbm>>) dst(%dma_wait3A_33 : memref<640x16xf32, #tpu.memory_space<vmem_shared>>)
    %barrier3A = arith.constant 0 : index
    tpu.barrier barrier_id(%barrier3A)
    %dma_start3A_36 = arith.constant 0 : i32
    %dma_start3A_37 = tpu.memref_slice %arg5[%dma_start3A_36] : memref<10000xi32, #tpu.memory_space<vmem>> -> memref<2000xi32, #tpu.memory_space<vmem>>
    %dma_start3A_38 = arith.constant 0 : i32
    %dma_start3A_39 = arith.constant 0 : i32
    %dma_start3A_40 = tpu.memref_slice %arg9[%dma_start3A_38, %dma_start3A_39] : memref<10240x16xf32, #tpu.memory_space<vmem_shared>> -> memref<10240x16xf32, #tpu.memory_space<vmem_shared>>
    tpu.enqueue_indirect_dma source(%dma_start3A_40 : memref<10240x16xf32, #tpu.memory_space<vmem_shared>>) target(%arg7 : memref<2000x16xf32, #tpu.memory_space<vmem>>) offsets(%dma_start3A_37 : memref<2000xi32, #tpu.memory_space<vmem>>) semaphore(%arg11 : memref<!tpu.dma_semaphore, #tpu.memory_space<semaphore_mem>>)
    %scan3A = arith.constant 0 : i32
    %scan3A_41 = arith.constant 2 : i32
    %scan3A_42 = arith.addi %scan3A, %scan3A_41 : i32
    %scan3A_43 = arith.constant 1 : i32
    scf.for %scan3A_55 = %scan3A to %scan3A_42 step %scan3A_43  : i32 {
      %mul3A_56 = arith.constant 2 : i32
      %mul3A_57 = arith.muli %scan3A_55, %mul3A_56 : i32
      %add3A_58 = arith.constant 0 : i32
      %add3A_59 = arith.addi %add3A_58, %mul3A_57 : i32
      %add3A_60 = arith.constant 1 : i32
      %add3A_61 = arith.addi %add3A_59, %add3A_60 : i32
      %mul3A_62 = arith.constant 2000 : i32
      %mul3A_63 = arith.muli %add3A_61, %mul3A_62 : i32
      %dma_start3A_64 = tpu.memref_slice %arg5[%mul3A_63] : memref<10000xi32, #tpu.memory_space<vmem>> -> memref<2000xi32, #tpu.memory_space<vmem>>
      %dma_start3A_65 = arith.constant 0 : i32
      %dma_start3A_66 = arith.constant 0 : i32
      %dma_start3A_67 = tpu.memref_slice %arg9[%dma_start3A_65, %dma_start3A_66] : memref<10240x16xf32, #tpu.memory_space<vmem_shared>> -> memref<10240x16xf32, #tpu.memory_space<vmem_shared>>
      tpu.enqueue_indirect_dma source(%dma_start3A_67 : memref<10240x16xf32, #tpu.memory_space<vmem_shared>>) target(%arg8 : memref<2000x16xf32, #tpu.memory_space<vmem>>) offsets(%dma_start3A_64 : memref<2000xi32, #tpu.memory_space<vmem>>) semaphore(%arg12 : memref<!tpu.dma_semaphore, #tpu.memory_space<semaphore_mem>>)
      %mul3A_68 = arith.constant 2000 : i32
      %mul3A_69 = arith.muli %add3A_59, %mul3A_68 : i32
      %dma_wait3A_70 = tpu.memref_slice %arg5[%mul3A_69] : memref<10000xi32, #tpu.memory_space<vmem>> -> memref<2000xi32, #tpu.memory_space<vmem>>
      %dma_wait3A_71 = arith.constant 0 : i32
      %dma_wait3A_72 = arith.constant 0 : i32
      %dma_wait3A_73 = tpu.memref_slice %arg9[%dma_wait3A_71, %dma_wait3A_72] : memref<10240x16xf32, #tpu.memory_space<vmem_shared>> -> memref<10240x16xf32, #tpu.memory_space<vmem_shared>>
      tpu.wait_indirect_dma semaphore(%arg11 : memref<!tpu.dma_semaphore, #tpu.memory_space<semaphore_mem>>) src(%dma_wait3A_73 : memref<10240x16xf32, #tpu.memory_space<vmem_shared>>) dst(%arg7 : memref<2000x16xf32, #tpu.memory_space<vmem>>)
      %mul3A_74 = arith.constant 2000 : i32
      %mul3A_75 = arith.muli %add3A_59, %mul3A_74 : i32
      "tpu.region"() ({
        %run_scoped3A_96 = tpu.sem_alloc : memref<!tpu.dma_semaphore, #tpu.memory_space<semaphore_mem>>
        %dma_start3A_97 = tpu.memref_slice %arg6[%mul3A_75] : memref<10000xi32, #tpu.memory_space<vmem>> -> memref<2000xi32, #tpu.memory_space<vmem>>
        %dma_start3A_98 = arith.constant 0 : i32
        %dma_start3A_99 = arith.constant 0 : i32
        %dma_start3A_100 = tpu.memref_slice %arg10[%dma_start3A_98, %dma_start3A_99] : memref<10240x16xf32, #tpu.memory_space<vmem_shared>> -> memref<10240x16xf32, #tpu.memory_space<vmem_shared>>
        tpu.enqueue_indirect_dma source(%arg7 : memref<2000x16xf32, #tpu.memory_space<vmem>>) target(%dma_start3A_100 : memref<10240x16xf32, #tpu.memory_space<vmem_shared>>) offsets(%dma_start3A_97 : memref<2000xi32, #tpu.memory_space<vmem>>) semaphore(%run_scoped3A_96 : memref<!tpu.dma_semaphore, #tpu.memory_space<semaphore_mem>>) {add = true}
        %dma_wait3A_101 = tpu.memref_slice %arg6[%mul3A_75] : memref<10000xi32, #tpu.memory_space<vmem>> -> memref<2000xi32, #tpu.memory_space<vmem>>
        %dma_wait3A_102 = arith.constant 0 : i32
        %dma_wait3A_103 = arith.constant 0 : i32
        %dma_wait3A_104 = tpu.memref_slice %arg10[%dma_wait3A_102, %dma_wait3A_103] : memref<10240x16xf32, #tpu.memory_space<vmem_shared>> -> memref<10240x16xf32, #tpu.memory_space<vmem_shared>>
        tpu.wait_indirect_dma semaphore(%run_scoped3A_96 : memref<!tpu.dma_semaphore, #tpu.memory_space<semaphore_mem>>) src(%arg7 : memref<2000x16xf32, #tpu.memory_space<vmem>>) dst(%dma_wait3A_104 : memref<10240x16xf32, #tpu.memory_space<vmem_shared>>)
        tpu.yield
      }) : () -> ()
      %add3A_76 = arith.constant 2 : i32
      %add3A_77 = arith.addi %add3A_59, %add3A_76 : i32
      %mul3A_78 = arith.constant 2000 : i32
      %mul3A_79 = arith.muli %add3A_77, %mul3A_78 : i32
      %dma_start3A_80 = tpu.memref_slice %arg5[%mul3A_79] : memref<10000xi32, #tpu.memory_space<vmem>> -> memref<2000xi32, #tpu.memory_space<vmem>>
      %dma_start3A_81 = arith.constant 0 : i32
      %dma_start3A_82 = arith.constant 0 : i32
      %dma_start3A_83 = tpu.memref_slice %arg9[%dma_start3A_81, %dma_start3A_82] : memref<10240x16xf32, #tpu.memory_space<vmem_shared>> -> memref<10240x16xf32, #tpu.memory_space<vmem_shared>>
      tpu.enqueue_indirect_dma source(%dma_start3A_83 : memref<10240x16xf32, #tpu.memory_space<vmem_shared>>) target(%arg7 : memref<2000x16xf32, #tpu.memory_space<vmem>>) offsets(%dma_start3A_80 : memref<2000xi32, #tpu.memory_space<vmem>>) semaphore(%arg11 : memref<!tpu.dma_semaphore, #tpu.memory_space<semaphore_mem>>)
      %add3A_84 = arith.constant 1 : i32
      %add3A_85 = arith.addi %add3A_59, %add3A_84 : i32
      %mul3A_86 = arith.constant 2000 : i32
      %mul3A_87 = arith.muli %add3A_85, %mul3A_86 : i32
      %dma_wait3A_88 = tpu.memref_slice %arg5[%mul3A_87] : memref<10000xi32, #tpu.memory_space<vmem>> -> memref<2000xi32, #tpu.memory_space<vmem>>
      %dma_wait3A_89 = arith.constant 0 : i32
      %dma_wait3A_90 = arith.constant 0 : i32
      %dma_wait3A_91 = tpu.memref_slice %arg9[%dma_wait3A_89, %dma_wait3A_90] : memref<10240x16xf32, #tpu.memory_space<vmem_shared>> -> memref<10240x16xf32, #tpu.memory_space<vmem_shared>>
      tpu.wait_indirect_dma semaphore(%arg12 : memref<!tpu.dma_semaphore, #tpu.memory_space<semaphore_mem>>) src(%dma_wait3A_91 : memref<10240x16xf32, #tpu.memory_space<vmem_shared>>) dst(%arg8 : memref<2000x16xf32, #tpu.memory_space<vmem>>)
      %add3A_92 = arith.constant 1 : i32
      %add3A_93 = arith.addi %add3A_59, %add3A_92 : i32
      %mul3A_94 = arith.constant 2000 : i32
      %mul3A_95 = arith.muli %add3A_93, %mul3A_94 : i32
      "tpu.region"() ({
        %run_scoped3A_96 = tpu.sem_alloc : memref<!tpu.dma_semaphore, #tpu.memory_space<semaphore_mem>>
        %dma_start3A_97 = tpu.memref_slice %arg6[%mul3A_95] : memref<10000xi32, #tpu.memory_space<vmem>> -> memref<2000xi32, #tpu.memory_space<vmem>>
        %dma_start3A_98 = arith.constant 0 : i32
        %dma_start3A_99 = arith.constant 0 : i32
        %dma_start3A_100 = tpu.memref_slice %arg10[%dma_start3A_98, %dma_start3A_99] : memref<10240x16xf32, #tpu.memory_space<vmem_shared>> -> memref<10240x16xf32, #tpu.memory_space<vmem_shared>>
        tpu.enqueue_indirect_dma source(%arg8 : memref<2000x16xf32, #tpu.memory_space<vmem>>) target(%dma_start3A_100 : memref<10240x16xf32, #tpu.memory_space<vmem_shared>>) offsets(%dma_start3A_97 : memref<2000xi32, #tpu.memory_space<vmem>>) semaphore(%run_scoped3A_96 : memref<!tpu.dma_semaphore, #tpu.memory_space<semaphore_mem>>) {add = true}
        %dma_wait3A_101 = tpu.memref_slice %arg6[%mul3A_95] : memref<10000xi32, #tpu.memory_space<vmem>> -> memref<2000xi32, #tpu.memory_space<vmem>>
        %dma_wait3A_102 = arith.constant 0 : i32
        %dma_wait3A_103 = arith.constant 0 : i32
        %dma_wait3A_104 = tpu.memref_slice %arg10[%dma_wait3A_102, %dma_wait3A_103] : memref<10240x16xf32, #tpu.memory_space<vmem_shared>> -> memref<10240x16xf32, #tpu.memory_space<vmem_shared>>
        tpu.wait_indirect_dma semaphore(%run_scoped3A_96 : memref<!tpu.dma_semaphore, #tpu.memory_space<semaphore_mem>>) src(%arg8 : memref<2000x16xf32, #tpu.memory_space<vmem>>) dst(%dma_wait3A_104 : memref<10240x16xf32, #tpu.memory_space<vmem_shared>>)
        tpu.yield
      }) : () -> ()
    }
    %scan3A_44 = arith.constant 2 : i32
    %dma_wait3A_45 = arith.constant 8000 : i32
    %dma_wait3A_46 = tpu.memref_slice %arg5[%dma_wait3A_45] : memref<10000xi32, #tpu.memory_space<vmem>> -> memref<2000xi32, #tpu.memory_space<vmem>>
    %dma_wait3A_47 = arith.constant 0 : i32
    %dma_wait3A_48 = arith.constant 0 : i32
    %dma_wait3A_49 = tpu.memref_slice %arg9[%dma_wait3A_47, %dma_wait3A_48] : memref<10240x16xf32, #tpu.memory_space<vmem_shared>> -> memref<10240x16xf32, #tpu.memory_space<vmem_shared>>
    tpu.wait_indirect_dma semaphore(%arg11 : memref<!tpu.dma_semaphore, #tpu.memory_space<semaphore_mem>>) src(%dma_wait3A_49 : memref<10240x16xf32, #tpu.memory_space<vmem_shared>>) dst(%arg7 : memref<2000x16xf32, #tpu.memory_space<vmem>>)
    "tpu.region"() ({
      %run_scoped3A_55 = tpu.sem_alloc : memref<!tpu.dma_semaphore, #tpu.memory_space<semaphore_mem>>
      %dma_start3A_56 = arith.constant 8000 : i32
      %dma_start3A_57 = tpu.memref_slice %arg6[%dma_start3A_56] : memref<10000xi32, #tpu.memory_space<vmem>> -> memref<2000xi32, #tpu.memory_space<vmem>>
      %dma_start3A_58 = arith.constant 0 : i32
      %dma_start3A_59 = arith.constant 0 : i32
      %dma_start3A_60 = tpu.memref_slice %arg10[%dma_start3A_58, %dma_start3A_59] : memref<10240x16xf32, #tpu.memory_space<vmem_shared>> -> memref<10240x16xf32, #tpu.memory_space<vmem_shared>>
      tpu.enqueue_indirect_dma source(%arg7 : memref<2000x16xf32, #tpu.memory_space<vmem>>) target(%dma_start3A_60 : memref<10240x16xf32, #tpu.memory_space<vmem_shared>>) offsets(%dma_start3A_57 : memref<2000xi32, #tpu.memory_space<vmem>>) semaphore(%run_scoped3A_55 : memref<!tpu.dma_semaphore, #tpu.memory_space<semaphore_mem>>) {add = true}
      %dma_wait3A_61 = arith.constant 8000 : i32
      %dma_wait3A_62 = tpu.memref_slice %arg6[%dma_wait3A_61] : memref<10000xi32, #tpu.memory_space<vmem>> -> memref<2000xi32, #tpu.memory_space<vmem>>
      %dma_wait3A_63 = arith.constant 0 : i32
      %dma_wait3A_64 = arith.constant 0 : i32
      %dma_wait3A_65 = tpu.memref_slice %arg10[%dma_wait3A_63, %dma_wait3A_64] : memref<10240x16xf32, #tpu.memory_space<vmem_shared>> -> memref<10240x16xf32, #tpu.memory_space<vmem_shared>>
      tpu.wait_indirect_dma semaphore(%run_scoped3A_55 : memref<!tpu.dma_semaphore, #tpu.memory_space<semaphore_mem>>) src(%arg7 : memref<2000x16xf32, #tpu.memory_space<vmem>>) dst(%dma_wait3A_65 : memref<10240x16xf32, #tpu.memory_space<vmem_shared>>)
      tpu.yield
    }) : () -> ()
    %barrier3A_50 = arith.constant 0 : index
    tpu.barrier barrier_id(%barrier3A_50)
    %mul3A_51 = arith.constant 640 : i32
    %mul3A_52 = arith.muli %arg1, %mul3A_51 : i32
    %mul3A_53 = arith.constant 640 : i32
    %mul3A_54 = arith.muli %arg1, %mul3A_53 : i32
    "tpu.region"() ({
      %run_scoped3A_55 = tpu.sem_alloc : memref<!tpu.dma_semaphore, #tpu.memory_space<semaphore_mem>>
      %dma_start3A_56 = arith.constant 0 : i32
      %dma_start3A_57 = tpu.memref_slice %arg4[%arg0, %mul3A_54, %dma_start3A_56] : memref<2x10240x16xf32, #tpu.memory_space<hbm>> -> memref<1x640x16xf32, #tpu.memory_space<hbm>>
      %dma_start3A_58 = tpu.memref_squeeze %dma_start3A_57 : memref<1x640x16xf32, #tpu.memory_space<hbm>> -> memref<640x16xf32, #tpu.memory_space<hbm>>
      %dma_start3A_59 = arith.constant 0 : i32
      %dma_start3A_60 = tpu.memref_slice %arg10[%mul3A_52, %dma_start3A_59] : memref<10240x16xf32, #tpu.memory_space<vmem_shared>> -> memref<640x16xf32, #tpu.memory_space<vmem_shared>>
      tpu.enqueue_dma source(%dma_start3A_60 : memref<640x16xf32, #tpu.memory_space<vmem_shared>>) target(%dma_start3A_58 : memref<640x16xf32, #tpu.memory_space<hbm>>) target_semaphore(%run_scoped3A_55 : memref<!tpu.dma_semaphore, #tpu.memory_space<semaphore_mem>>)
      %dma_wait3A_61 = arith.constant 0 : i32
      %dma_wait3A_62 = tpu.memref_slice %arg4[%arg0, %mul3A_54, %dma_wait3A_61] : memref<2x10240x16xf32, #tpu.memory_space<hbm>> -> memref<1x640x16xf32, #tpu.memory_space<hbm>>
      %dma_wait3A_63 = tpu.memref_squeeze %dma_wait3A_62 : memref<1x640x16xf32, #tpu.memory_space<hbm>> -> memref<640x16xf32, #tpu.memory_space<hbm>>
      %dma_wait3A_64 = arith.constant 0 : i32
      %dma_wait3A_65 = tpu.memref_slice %arg10[%mul3A_52, %dma_wait3A_64] : memref<10240x16xf32, #tpu.memory_space<vmem_shared>> -> memref<640x16xf32, #tpu.memory_space<vmem_shared>>
      tpu.wait_dma2 semaphore(%run_scoped3A_55 : memref<!tpu.dma_semaphore, #tpu.memory_space<semaphore_mem>>) src(%dma_wait3A_65 : memref<640x16xf32, #tpu.memory_space<vmem_shared>>) dst(%dma_wait3A_63 : memref<640x16xf32, #tpu.memory_space<hbm>>)
      tpu.yield
    }) : () -> ()
    return
  }
}

module attributes {stable_mosaic.version = 14 : i64} {
  func.func @_mm_body(%arg0: i32, %arg1: memref<128x1024xbf16, #tpu.memory_space<vmem>>, %arg2: memref<1024x128xbf16, #tpu.memory_space<vmem>>, %arg3: memref<128x128xf32, #tpu.memory_space<vmem>>) attributes {dimension_semantics = [#tpu.dimension_semantics<arbitrary>], iteration_bounds = array<i64: 10>, scalar_prefetch = 0 : i64, scratch_operands = 0 : i64, tpu.core_type = #tpu.core_type<tc>, window_params = [{transform_indices = @transform_0, window_bounds = array<i64: 128, 1024>}, {pipeline_mode = #tpu.pipeline_mode<synchronous>, transform_indices = @transform_1, window_bounds = array<i64: 1024, 128>}, {transform_indices = @transform_2, window_bounds = array<i64: 128, 128>}]} {
    %get3A = arith.constant 0 : index
    %get3A_0 = arith.constant 0 : index
    %get3A_1 = vector.load %arg1[%get3A, %get3A_0] : memref<128x1024xbf16, #tpu.memory_space<vmem>>, vector<128x1024xbf16>
    %get3A_2 = arith.constant 0 : index
    %get3A_3 = arith.constant 0 : index
    %get3A_4 = vector.load %arg2[%get3A_2, %get3A_3] : memref<1024x128xbf16, #tpu.memory_space<vmem>>, vector<1024x128xbf16>
    %dot_general3A = arith.constant dense<0.000000e+00> : vector<128x128xf32>
    %dot_general3A_5 = tpu.matmul %get3A_1, %get3A_4, %dot_general3A {dimension_numbers = #tpu.dot_dimension_numbers<[1], [0], [0], [1], [0, 0, 1, 1], [], []>, transpose_lhs_hint = false} : vector<128x1024xbf16>, vector<1024x128xbf16>, vector<128x128xf32> -> vector<128x128xf32>
    %swap3A = arith.constant 0 : index
    %swap3A_6 = arith.constant 0 : index
    %swap3A_7 = vector.load %arg3[%swap3A, %swap3A_6] : memref<128x128xf32, #tpu.memory_space<vmem>>, vector<128x128xf32>
    tpu.vector_store %arg3[%swap3A, %swap3A_6], %dot_general3A_5 {strides = array<i32>} : memref<128x128xf32, #tpu.memory_space<vmem>>, vector<128x128xf32>,
    return
  }
  func.func @transform_0(%arg0: i32) -> (i32, i32) {
    %c0_i32 = arith.constant 0 : i32
    %c0_i32_0 = arith.constant 0 : i32
    return %arg0, %c0_i32 : i32, i32
  }
  func.func @transform_1(%arg0: i32) -> (i32, i32) {
    %c0_i32 = arith.constant 0 : i32
    %c0_i32_0 = arith.constant 0 : i32
    %c0_i32_1 = arith.constant 0 : i32
    return %c0_i32, %c0_i32_0 : i32, i32
  }
  func.func @transform_2(%arg0: i32) -> (i32, i32) {
    %c0_i32 = arith.constant 0 : i32
    %c0_i32_0 = arith.constant 0 : i32
    return %arg0, %c0_i32 : i32, i32
  }
}

module attributes {stable_mosaic.version = 14 : i64} {
  func.func @_s1_body(%arg0: i32, %arg1: memref<2x128x128xf32, #tpu.memory_space<vmem>>, %arg2: memref<128x128xf32, #tpu.memory_space<vmem>>, %arg3: memref<128x128xf32, #tpu.memory_space<vmem>>, %arg4: memref<128x128xf32, #tpu.memory_space<vmem>>) attributes {dimension_semantics = [#tpu.dimension_semantics<arbitrary>], iteration_bounds = array<i64: 10>, scalar_prefetch = 0 : i64, scratch_operands = 0 : i64, tpu.core_type = #tpu.core_type<tc>, window_params = [{transform_indices = @transform_0, window_bounds = array<i64: 2, 128, 128>}, {transform_indices = @transform_1, window_bounds = array<i64: 128, 128>}, {transform_indices = @transform_2, window_bounds = array<i64: 128, 128>}, {transform_indices = @transform_3, window_bounds = array<i64: 128, 128>}]} {
    %get3A = arith.constant 0 : index
    %get3A_0 = arith.constant 0 : index
    %get3A_1 = arith.constant 0 : index
    %get3A_2 = vector.load %arg1[%get3A, %get3A_0, %get3A_1] : memref<2x128x128xf32, #tpu.memory_space<vmem>>, vector<1x128x128xf32>
    %get3A_3 = vector.shape_cast %get3A_2 : vector<1x128x128xf32> to vector<128x128xf32>
    %get3A_4 = arith.constant 1 : index
    %get3A_5 = arith.constant 0 : index
    %get3A_6 = arith.constant 0 : index
    %get3A_7 = vector.load %arg1[%get3A_4, %get3A_5, %get3A_6] : memref<2x128x128xf32, #tpu.memory_space<vmem>>, vector<1x128x128xf32>
    %get3A_8 = vector.shape_cast %get3A_7 : vector<1x128x128xf32> to vector<128x128xf32>
    %add3A = arith.addf %get3A_3, %get3A_8 : vector<128x128xf32>
    %sub3A = arith.constant 1.000000e+00 : f32
    %sub3A_9 = vector.broadcast %sub3A : f32 to vector<128x128xf32>
    %sub3A_10 = arith.subf %add3A, %sub3A_9 : vector<128x128xf32>
    %rsqrt3A = math.rsqrt %sub3A_10 : vector<128x128xf32>
    %swap3A = arith.constant 0 : index
    %swap3A_11 = arith.constant 0 : index
    %swap3A_12 = vector.load %arg4[%swap3A, %swap3A_11] : memref<128x128xf32, #tpu.memory_space<vmem>>, vector<128x128xf32>
    tpu.vector_store %arg4[%swap3A, %swap3A_11], %rsqrt3A {strides = array<i32>} : memref<128x128xf32, #tpu.memory_space<vmem>>, vector<128x128xf32>,
    %get3A_13 = arith.constant 0 : index
    %get3A_14 = arith.constant 0 : index
    %get3A_15 = vector.load %arg2[%get3A_13, %get3A_14] : memref<128x128xf32, #tpu.memory_space<vmem>>, vector<128x128xf32>
    %mul3A = arith.mulf %rsqrt3A, %get3A_15 : vector<128x128xf32>
    %swap3A_16 = arith.constant 0 : index
    %swap3A_17 = arith.constant 0 : index
    %swap3A_18 = vector.load %arg3[%swap3A_16, %swap3A_17] : memref<128x128xf32, #tpu.memory_space<vmem>>, vector<128x128xf32>
    tpu.vector_store %arg3[%swap3A_16, %swap3A_17], %mul3A {strides = array<i32>} : memref<128x128xf32, #tpu.memory_space<vmem>>, vector<128x128xf32>,
    return
  }
  func.func @transform_0(%arg0: i32) -> (i32, i32, i32) {
    %c0_i32 = arith.constant 0 : i32
    %c0_i32_0 = arith.constant 0 : i32
    %c0_i32_1 = arith.constant 0 : i32
    return %c0_i32, %arg0, %c0_i32_0 : i32, i32, i32
  }
  func.func @transform_1(%arg0: i32) -> (i32, i32) {
    %c0_i32 = arith.constant 0 : i32
    %c0_i32_0 = arith.constant 0 : i32
    return %arg0, %c0_i32 : i32, i32
  }
  func.func @transform_2(%arg0: i32) -> (i32, i32) {
    %c0_i32 = arith.constant 0 : i32
    %c0_i32_0 = arith.constant 0 : i32
    return %arg0, %c0_i32 : i32, i32
  }
  func.func @transform_3(%arg0: i32) -> (i32, i32) {
    %c0_i32 = arith.constant 0 : i32
    %c0_i32_0 = arith.constant 0 : i32
    return %arg0, %c0_i32 : i32, i32
  }
}

module attributes {stable_mosaic.version = 14 : i64} {
  func.func @_s2_body(%arg0: i32, %arg1: memref<2x128x128xf32, #tpu.memory_space<vmem>>, %arg2: memref<128x128xf32, #tpu.memory_space<vmem>>, %arg3: memref<128x128xf32, #tpu.memory_space<vmem>>, %arg4: memref<128x128xf32, #tpu.memory_space<vmem>>, %arg5: memref<1x128xf32, #tpu.memory_space<vmem>>, %arg6: memref<128x128xf32, #tpu.memory_space<vmem>>) attributes {dimension_semantics = [#tpu.dimension_semantics<arbitrary>], iteration_bounds = array<i64: 10>, scalar_prefetch = 0 : i64, scratch_operands = 0 : i64, tpu.core_type = #tpu.core_type<tc>, window_params = [{transform_indices = @transform_0, window_bounds = array<i64: 2, 128, 128>}, {transform_indices = @transform_1, window_bounds = array<i64: 128, 128>}, {transform_indices = @transform_2, window_bounds = array<i64: 128, 128>}, {pipeline_mode = #tpu.pipeline_mode<synchronous>, transform_indices = @transform_3, window_bounds = array<i64: 128, 128>}, {pipeline_mode = #tpu.pipeline_mode<synchronous>, transform_indices = @transform_4, window_bounds = array<i64: 1, 128>}, {transform_indices = @transform_5, window_bounds = array<i64: 128, 128>}]} {
    %get3A = arith.constant 0 : index
    %get3A_0 = arith.constant 0 : index
    %get3A_1 = vector.load %arg3[%get3A, %get3A_0] : memref<128x128xf32, #tpu.memory_space<vmem>>, vector<128x128xf32>
    %get3A_2 = arith.constant 0 : index
    %get3A_3 = arith.constant 0 : index
    %get3A_4 = arith.constant 0 : index
    %get3A_5 = vector.load %arg1[%get3A_2, %get3A_3, %get3A_4] : memref<2x128x128xf32, #tpu.memory_space<vmem>>, vector<1x128x128xf32>
    %get3A_6 = vector.shape_cast %get3A_5 : vector<1x128x128xf32> to vector<128x128xf32>
    %get3A_7 = arith.constant 1 : index
    %get3A_8 = arith.constant 0 : index
    %get3A_9 = arith.constant 0 : index
    %get3A_10 = vector.load %arg1[%get3A_7, %get3A_8, %get3A_9] : memref<2x128x128xf32, #tpu.memory_space<vmem>>, vector<1x128x128xf32>
    %get3A_11 = vector.shape_cast %get3A_10 : vector<1x128x128xf32> to vector<128x128xf32>
    %add3A = arith.addf %get3A_6, %get3A_11 : vector<128x128xf32>
    %get3A_12 = arith.constant 0 : index
    %get3A_13 = arith.constant 0 : index
    %get3A_14 = vector.load %arg2[%get3A_12, %get3A_13] : memref<128x128xf32, #tpu.memory_space<vmem>>, vector<128x128xf32>
    %sub3A = arith.subf %add3A, %get3A_14 : vector<128x128xf32>
    %mul3A = arith.mulf %get3A_1, %sub3A : vector<128x128xf32>
    %get3A_15 = arith.constant 0 : index
    %get3A_16 = arith.constant 0 : index
    %get3A_17 = vector.load %arg5[%get3A_15, %get3A_16] : memref<1x128xf32, #tpu.memory_space<vmem>>, vector<1x128xf32>
    %add3A_18 = vector.broadcast %get3A_17 : vector<1x128xf32> to vector<128x128xf32>
    %add3A_19 = arith.addf %mul3A, %add3A_18 : vector<128x128xf32>
    %max3A = arith.constant 0.000000e+00 : f32
    %max3A_20 = vector.broadcast %max3A : f32 to vector<128x128xf32>
    %max3A_21 = arith.maximumf %add3A_19, %max3A_20 : vector<128x128xf32>
    %get3A_22 = arith.constant 0 : index
    %get3A_23 = arith.constant 0 : index
    %get3A_24 = vector.load %arg4[%get3A_22, %get3A_23] : memref<128x128xf32, #tpu.memory_space<vmem>>, vector<128x128xf32>
    %dot_general3A = arith.constant dense<0.000000e+00> : vector<128x128xf32>
    %dot_general3A_25 = tpu.matmul %max3A_21, %get3A_24, %dot_general3A {dimension_numbers = #tpu.dot_dimension_numbers<[1], [0], [0], [1], [0, 0, 1, 1], [], []>, transpose_lhs_hint = false} : vector<128x128xf32>, vector<128x128xf32>, vector<128x128xf32> -> vector<128x128xf32>
    %mul3A_26 = arith.mulf %get3A_1, %dot_general3A_25 : vector<128x128xf32>
    %swap3A = arith.constant 0 : index
    %swap3A_27 = arith.constant 0 : index
    %swap3A_28 = vector.load %arg6[%swap3A, %swap3A_27] : memref<128x128xf32, #tpu.memory_space<vmem>>, vector<128x128xf32>
    tpu.vector_store %arg6[%swap3A, %swap3A_27], %mul3A_26 {strides = array<i32>} : memref<128x128xf32, #tpu.memory_space<vmem>>, vector<128x128xf32>,
    return
  }
  func.func @transform_0(%arg0: i32) -> (i32, i32, i32) {
    %c0_i32 = arith.constant 0 : i32
    %c0_i32_0 = arith.constant 0 : i32
    %c0_i32_1 = arith.constant 0 : i32
    return %c0_i32, %arg0, %c0_i32_0 : i32, i32, i32
  }
  func.func @transform_1(%arg0: i32) -> (i32, i32) {
    %c0_i32 = arith.constant 0 : i32
    %c0_i32_0 = arith.constant 0 : i32
    return %arg0, %c0_i32 : i32, i32
  }
  func.func @transform_2(%arg0: i32) -> (i32, i32) {
    %c0_i32 = arith.constant 0 : i32
    %c0_i32_0 = arith.constant 0 : i32
    return %arg0, %c0_i32 : i32, i32
  }
  func.func @transform_3(%arg0: i32) -> (i32, i32) {
    %c0_i32 = arith.constant 0 : i32
    %c0_i32_0 = arith.constant 0 : i32
    %c0_i32_1 = arith.constant 0 : i32
    return %c0_i32, %c0_i32_0 : i32, i32
  }
  func.func @transform_4(%arg0: i32) -> (i32, i32) {
    %c0_i32 = arith.constant 0 : i32
    %c0_i32_0 = arith.constant 0 : i32
    %c0_i32_1 = arith.constant 0 : i32
    return %c0_i32, %c0_i32_0 : i32, i32
  }
  func.func @transform_5(%arg0: i32) -> (i32, i32) {
    %c0_i32 = arith.constant 0 : i32
    %c0_i32_0 = arith.constant 0 : i32
    return %arg0, %c0_i32 : i32, i32
  }
}

module attributes {stable_mosaic.version = 14 : i64} {
  func.func @_s3_body(%arg0: i32, %arg1: memref<2x128x128xf32, #tpu.memory_space<vmem>>, %arg2: memref<128x128xf32, #tpu.memory_space<vmem>>, %arg3: memref<128x128xf32, #tpu.memory_space<vmem>>, %arg4: memref<1x128xf32, #tpu.memory_space<vmem>>, %arg5: memref<128x128xf32, #tpu.memory_space<vmem>>, %arg6: memref<128x128xf32, #tpu.memory_space<vmem>>) attributes {dimension_semantics = [#tpu.dimension_semantics<arbitrary>], iteration_bounds = array<i64: 10>, scalar_prefetch = 0 : i64, scratch_operands = 0 : i64, tpu.core_type = #tpu.core_type<tc>, window_params = [{transform_indices = @transform_0, window_bounds = array<i64: 2, 128, 128>}, {transform_indices = @transform_1, window_bounds = array<i64: 128, 128>}, {transform_indices = @transform_2, window_bounds = array<i64: 128, 128>}, {pipeline_mode = #tpu.pipeline_mode<synchronous>, transform_indices = @transform_3, window_bounds = array<i64: 1, 128>}, {pipeline_mode = #tpu.pipeline_mode<synchronous>, transform_indices = @transform_4, window_bounds = array<i64: 128, 128>}, {transform_indices = @transform_5, window_bounds = array<i64: 128, 128>}]} {
    %get3A = arith.constant 0 : index
    %get3A_0 = arith.constant 0 : index
    %get3A_1 = vector.load %arg3[%get3A, %get3A_0] : memref<128x128xf32, #tpu.memory_space<vmem>>, vector<128x128xf32>
    %get3A_2 = arith.constant 0 : index
    %get3A_3 = arith.constant 0 : index
    %get3A_4 = arith.constant 0 : index
    %get3A_5 = vector.load %arg1[%get3A_2, %get3A_3, %get3A_4] : memref<2x128x128xf32, #tpu.memory_space<vmem>>, vector<1x128x128xf32>
    %get3A_6 = vector.shape_cast %get3A_5 : vector<1x128x128xf32> to vector<128x128xf32>
    %get3A_7 = arith.constant 1 : index
    %get3A_8 = arith.constant 0 : index
    %get3A_9 = arith.constant 0 : index
    %get3A_10 = vector.load %arg1[%get3A_7, %get3A_8, %get3A_9] : memref<2x128x128xf32, #tpu.memory_space<vmem>>, vector<1x128x128xf32>
    %get3A_11 = vector.shape_cast %get3A_10 : vector<1x128x128xf32> to vector<128x128xf32>
    %add3A = arith.addf %get3A_6, %get3A_11 : vector<128x128xf32>
    %get3A_12 = arith.constant 0 : index
    %get3A_13 = arith.constant 0 : index
    %get3A_14 = vector.load %arg2[%get3A_12, %get3A_13] : memref<128x128xf32, #tpu.memory_space<vmem>>, vector<128x128xf32>
    %sub3A = arith.subf %add3A, %get3A_14 : vector<128x128xf32>
    %mul3A = arith.mulf %get3A_1, %sub3A : vector<128x128xf32>
    %get3A_15 = arith.constant 0 : index
    %get3A_16 = arith.constant 0 : index
    %get3A_17 = vector.load %arg4[%get3A_15, %get3A_16] : memref<1x128xf32, #tpu.memory_space<vmem>>, vector<1x128xf32>
    %add3A_18 = vector.broadcast %get3A_17 : vector<1x128xf32> to vector<128x128xf32>
    %add3A_19 = arith.addf %mul3A, %add3A_18 : vector<128x128xf32>
    %iota3A = tpu.iota {dimensions = array<i32: 1>} : vector<128x128xi32>
    %jit3A = arith.constant 16 : i32
    %eq3A = arith.constant 0 : i32
    %eq3A_20 = arith.cmpi eq, %jit3A, %eq3A : i32
    %jit3A_21 = arith.constant 1 : i32
    %select_n3A = arith.select %eq3A_20, %jit3A_21, %jit3A : i32
    %rem3A = vector.broadcast %select_n3A : i32 to vector<128x128xi32>
    %rem3A_22 = arith.remsi %iota3A, %rem3A : vector<128x128xi32>
    %ne3A = arith.constant 0 : i32
    %ne3A_23 = vector.broadcast %ne3A : i32 to vector<128x128xi32>
    %ne3A_24 = arith.cmpi ne, %rem3A_22, %ne3A_23 : vector<128x128xi32>
    %lt3A = arith.constant 0 : i32
    %lt3A_25 = vector.broadcast %lt3A : i32 to vector<128x128xi32>
    %lt3A_26 = arith.cmpi slt, %rem3A_22, %lt3A_25 : vector<128x128xi32>
    %lt3A_27 = arith.constant 0 : i32
    %lt3A_28 = arith.cmpi slt, %select_n3A, %lt3A_27 : i32
    %ne3A_29 = vector.broadcast %lt3A_28 : i1 to vector<128x128xi1>
    %ne3A_30 = vector.broadcast %ne3A_29 : vector<128x128xi1> to vector<128x128xi1>
    %ne3A_31 = arith.xori %lt3A_26, %ne3A_30 : vector<128x128xi1>
    %and3A = arith.andi %ne3A_31, %ne3A_24 : vector<128x128xi1>
    %add3A_32 = vector.broadcast %select_n3A : i32 to vector<128x128xi32>
    %add3A_33 = arith.addi %rem3A_22, %add3A_32 : vector<128x128xi32>
    %select_n3A_34 = arith.select %and3A, %add3A_33, %rem3A_22 : vector<128x128xi1>, vector<128x128xi32>
    %lt3A_35 = arith.constant 7 : i32
    %lt3A_36 = vector.broadcast %lt3A_35 : i32 to vector<128x128xi32>
    %lt3A_37 = arith.cmpi slt, %select_n3A_34, %lt3A_36 : vector<128x128xi32>
    %jit3A_38 = arith.constant 0xFF800000 : f32
    %broadcast_in_dim3A = vector.broadcast %jit3A_38 : f32 to vector<128x128xf32>
    %select_n3A_39 = arith.select %lt3A_37, %add3A_19, %broadcast_in_dim3A : vector<128x128xi1>, vector<128x128xf32>
    %reduce_max3A = arith.constant dense<0xFF800000> : vector<128xf32>
    %reduce_max3A_40 = vector.multi_reduction <maximumf>, %select_n3A_39, %reduce_max3A [1] : vector<128x128xf32> to vector<128xf32>
    %broadcast_in_dim3A_41 = vector.shape_cast %reduce_max3A_40 : vector<128xf32> to vector<128x1xf32>
    %sub3A_42 = vector.broadcast %broadcast_in_dim3A_41 : vector<128x1xf32> to vector<128x128xf32>
    %sub3A_43 = arith.subf %select_n3A_39, %sub3A_42 : vector<128x128xf32>
    %exp3A = math.exp %sub3A_43 : vector<128x128xf32>
    %get3A_44 = arith.constant 0 : index
    %get3A_45 = arith.constant 0 : index
    %get3A_46 = vector.load %arg5[%get3A_44, %get3A_45] : memref<128x128xf32, #tpu.memory_space<vmem>>, vector<128x128xf32>
    %dot_general3A = arith.constant dense<0.000000e+00> : vector<128x128xf32>
    %dot_general3A_47 = tpu.matmul %exp3A, %get3A_46, %dot_general3A {dimension_numbers = #tpu.dot_dimension_numbers<[1], [0], [0], [1], [0, 0, 1, 1], [], []>, transpose_lhs_hint = false} : vector<128x128xf32>, vector<128x128xf32>, vector<128x128xf32> -> vector<128x128xf32>
    %log3A = math.log %dot_general3A_47 : vector<128x128xf32>
    %add3A_48 = vector.broadcast %broadcast_in_dim3A_41 : vector<128x1xf32> to vector<128x128xf32>
    %add3A_49 = arith.addf %add3A_48, %log3A : vector<128x128xf32>
    %sub3A_50 = arith.subf %add3A_19, %add3A_49 : vector<128x128xf32>
    %swap3A = arith.constant 0 : index
    %swap3A_51 = arith.constant 0 : index
    %swap3A_52 = vector.load %arg6[%swap3A, %swap3A_51] : memref<128x128xf32, #tpu.memory_space<vmem>>, vector<128x128xf32>
    tpu.vector_store %arg6[%swap3A, %swap3A_51], %sub3A_50 {strides = array<i32>} : memref<128x128xf32, #tpu.memory_space<vmem>>, vector<128x128xf32>,
    return
  }
  func.func @transform_0(%arg0: i32) -> (i32, i32, i32) {
    %c0_i32 = arith.constant 0 : i32
    %c0_i32_0 = arith.constant 0 : i32
    %c0_i32_1 = arith.constant 0 : i32
    return %c0_i32, %arg0, %c0_i32_0 : i32, i32, i32
  }
  func.func @transform_1(%arg0: i32) -> (i32, i32) {
    %c0_i32 = arith.constant 0 : i32
    %c0_i32_0 = arith.constant 0 : i32
    return %arg0, %c0_i32 : i32, i32
  }
  func.func @transform_2(%arg0: i32) -> (i32, i32) {
    %c0_i32 = arith.constant 0 : i32
    %c0_i32_0 = arith.constant 0 : i32
    return %arg0, %c0_i32 : i32, i32
  }
  func.func @transform_3(%arg0: i32) -> (i32, i32) {
    %c0_i32 = arith.constant 0 : i32
    %c0_i32_0 = arith.constant 0 : i32
    %c0_i32_1 = arith.constant 0 : i32
    return %c0_i32, %c0_i32_0 : i32, i32
  }
  func.func @transform_4(%arg0: i32) -> (i32, i32) {
    %c0_i32 = arith.constant 0 : i32
    %c0_i32_0 = arith.constant 0 : i32
    %c0_i32_1 = arith.constant 0 : i32
    return %c0_i32, %c0_i32_0 : i32, i32
  }
  func.func @transform_5(%arg0: i32) -> (i32, i32) {
    %c0_i32 = arith.constant 0 : i32
    %c0_i32_0 = arith.constant 0 : i32
    return %arg0, %c0_i32 : i32, i32
  }
}

</mosaic_0001>

<sc_bundles>
// kernel: kernel.12.cloned.1.call-start
scs
__scs_entry_jumppad:
0x0: {  	(pc) =	sbr.rel $0x88, $3  }
0x1: {  	(tag) =	ssettag $0x0;
	lr =	simm.s32 $0x1  }
0x2: {  	[smem:$0x3F9B] =	sst lr;
	_ =	strace $0xD0000000  }
0x3: {  	_ = 	snop  }
0x4: {  	_ = 	snop  }
0x5: {  	_ = 	snop  }
0x6: {  	_ = 	snop  }
0x7: {  	_ = 	snop  }
__scs_overlays_trampoline_lowered:
0x8: {  	[smem:$0x3FAA] =	sst s0  }
0x9: {  	[smem:$0x3FAB] =	sst s1  }
0xa: {  	[smem:$0x3FAC] =	sst s2  }
0xb: {  	[smem:$0x3FAD] =	sst s3  }
0xc: {  	[smem:$0x3FAE] =	sst s4  }
0xd: {  	[smem:$0x3FAF] =	sst s5  }
0xe: {  	[smem:$0x3FB0] =	sst s6  }
0xf: {  	[smem:$0x3FB1] =	sst s7  }
0x10: {  	[smem:$0x3FB2] =	sst s8  }
0x11: {  	[smem:$0x3FB3] =	sst s9;
	s0 =	simm.s32 @!p0 $0x0  }
0x12: {  	s1 =	sld [smem:$0x3F99];
	s0 =	simm.s32 @p0 $0x1  }
0x13: {  	[smem:$0x3FB4] =	sst s0;
	s0 =	simm.s32 @!p1 $0x0  }
0x14: {  	s2 =	sld [smem:$0x3F98];
	s0 =	simm.s32 @p1 $0x1  }
0x15: {  	[smem:$0x3FB5] =	sst s0;
	s0 =	simm.s32 @!p2 $0x0  }
0x16: {  	s3 =	sld [smem:$0x3FDB];
	s0 =	simm.s32 @p2 $0x1  }
0x17: {  	s4 =	simm.s32 $0x1BF5;
	[smem:$0x3FB7] =	sst s0  }
0x18: {  	s0 =	sld [smem:$0x3F9A];
	_ =	swait.ge [sflag:s4], $0x0  }
0x19: {  	s7 =	sld [smem:$0x3F9B]  }
0x1a: {  	s8 =	sadd.s32 $0xFFFFE003, lr  }
0x1b: {  	s9 =	sadd.s32 $0xFFFFFEF7, lr;
	s5 =	simm.s32 $0xFFFFFFFF;
	p2 =	slt.u32 s8, $0xFFFFF086  }
0x1c: {  	p1 =	slt.u32 s9, $0xF7A;
	s5 =	simm.s32 @!p2 $0x0  }
0x1d: {  	s5 =	simm.s32 @p1 $0x1;
	p0 =	seq.s32 s7, s2  }
0x1e: {  	s7 =	smul.u32 @!p0 $0xF7A, s2;
	p2 =	seq.s32 @!p0 s5, $0x0  }
0x1f: {  	s9 =	smul.u32 $0xF7A, s1;
	s8 =	simm.s32 @!p0 $0x1BF5;
	p2 =	por !p2, p0  }
0x20: {  	[sflag:s8] =	ssyncset.s32 @!p0 $0xFFFFF086;
	s6 =	sadd.s32 @!p0 s3, s7;
	s7 =	simm.s32 @!p0 $0x108  }
0x21: {  	s3 =	sadd.s32 s3, s9;
	s6 =	sadd.s32 @!p0 $0x88, s6;
	s7 =	simm.s32 @p2 $0x1082  }
0x22: {  	[simem:s7], [sflag:s8] =	dma.local @!p0 [hbm:s6], $0xF7A  }
0x23: {  	s9 =	sor.u32 $0xD0000000, s2;
	s6 =	simm.s32 $0x108;
	_ =	swait.ge @!p0 [sflag:s8], $0x0  }
0x24: {  	s3 =	sadd.s32 $0x88, s3;
	s6 =	simm.s32 @!p1 $0x1082;
	[sflag:s4] =	ssyncset.s32 $0xFFFFF086  }
0x25: {  	[simem:s6], [sflag:s4] =	dma.local [hbm:s3], $0xF7A  }
0x26: {  	[smem:$0x3F9B] =	sst s1;
	(tag) =	ssettag s2;
	_ =	strace s9  }
0x27: {  	s1 =	sld [smem:$0x3FAB]  }
0x28: {  	s2 =	sld [smem:$0x3FAC]  }
0x29: {  	s4 =	sld [smem:$0x3FAE]  }
0x2a: {  	p0 =	seq.s32 s5, $0x0;
	s5 =	sld [smem:$0x3FAF]  }
0x2b: {  	s6 =	sld [smem:$0x3FB0]  }
0x2c: {  	s7 =	sld [smem:$0x3FB1]  }
0x2d: {  	s3 =	simm.s32 $0x108;
	s8 =	sld [smem:$0x3FB2]  }
0x2e: {  	s3 =	simm.s32 @!p0 $0x1082;
	s9 =	sld [smem:$0x3FB3]  }
0x2f: {  	lr =	sadd.s32 s0, s3;
	s0 =	sld [smem:$0x3FAA]  }
0x30: {  	s3 =	sld [smem:$0x3FAD]  }
0x31: {  	[smem:$0x3FB6] =	sst s10  }
0x32: {  	s10 =	sld [smem:$0x3FB4];
	_ =	sdelay $0x3  }
0x33: {  	p0 =	seq.s32 s10, $0x1;
	s10 =	sld [smem:$0x3FB6];
	_ =	sdelay $0x3  }
0x34: {  	[smem:$0x3FB6] =	sst s10  }
0x35: {  	s10 =	sld [smem:$0x3FB5];
	_ =	sdelay $0x3  }
0x36: {  	p1 =	seq.s32 s10, $0x1;
	s10 =	sld [smem:$0x3FB6];
	_ =	sdelay $0x3  }
0x37: {  	[smem:$0x3FB6] =	sst s10  }
0x38: {  	s10 =	sld [smem:$0x3FB7]  }
0x39: {  	_ = 	snop;
	(pc) =	sbr.ind lr, $3  }
0x3a: {  	_ = 	snop  }
0x3b: {  	_ = 	snop  }
0x3c: {  	p2 =	seq.s32 s10, $0x1;
	s10 =	sld [smem:$0x3FB6]  }
0x3d: {  	_ =	shalt  }
0x3e: {  	_ =	shalt  }
0x3f: {  	_ =	shalt  }
0x40: {  	_ =	shalt  }
0x41: {  	_ =	shalt  }
0x42: {  	_ =	shalt  }
0x43: {  	_ =	shalt  }
0x44: {  	_ =	shalt  }
0x45: {  	_ =	shalt  }
0x46: {  	_ =	shalt  }
0x47: {  	_ =	shalt  }
0x48: {  	_ =	shalt  }
0x49: {  	_ =	shalt  }
0x4a: {  	_ =	shalt  }
0x4b: {  	_ =	shalt  }
0x4c: {  	_ =	shalt  }
0x4d: {  	_ =	shalt  }
0x4e: {  	_ =	shalt  }
0x4f: {  	_ =	shalt  }
0x50: {  	_ =	shalt  }
0x51: {  	_ =	shalt  }
0x52: {  	_ =	shalt  }
0x53: {  	_ =	shalt  }
0x54: {  	_ =	shalt  }
0x55: {  	_ =	shalt  }
0x56: {  	_ =	shalt  }
0x57: {  	_ =	shalt  }
0x58: {  	_ =	shalt  }
0x59: {  	_ =	shalt  }
0x5a: {  	_ =	shalt  }
0x5b: {  	_ =	shalt  }
0x5c: {  	_ =	shalt  }
0x5d: {  	_ =	shalt  }
0x5e: {  	_ =	shalt  }
0x5f: {  	_ =	shalt  }
0x60: {  	_ =	shalt  }
0x61: {  	_ =	shalt  }
0x62: {  	_ =	shalt  }
0x63: {  	_ =	shalt  }
0x64: {  	_ =	shalt  }
0x65: {  	_ =	shalt  }
0x66: {  	_ =	shalt  }
0x67: {  	_ =	shalt  }
0x68: {  	_ =	shalt  }
0x69: {  	_ =	shalt  }
0x6a: {  	_ =	shalt  }
0x6b: {  	_ =	shalt  }
0x6c: {  	_ =	shalt  }
0x6d: {  	_ =	shalt  }
0x6e: {  	_ =	shalt  }
0x6f: {  	_ =	shalt  }
0x70: {  	_ =	shalt  }
0x71: {  	_ =	shalt  }
0x72: {  	_ =	shalt  }
0x73: {  	_ =	shalt  }
0x74: {  	_ =	shalt  }
0x75: {  	_ =	shalt  }
0x76: {  	_ =	shalt  }
0x77: {  	_ =	shalt  }
0x78: {  	_ =	shalt  }
0x79: {  	_ =	shalt  }
0x7a: {  	_ =	shalt  }
0x7b: {  	_ =	shalt  }
0x7c: {  	_ =	shalt  }
0x7d: {  	_ =	shalt  }
0x7e: {  	_ =	shalt  }
0x7f: {  	_ =	shalt  }
0x80: {  	_ =	shalt  }
0x81: {  	_ =	shalt  }
0x82: {  	_ =	shalt  }
0x83: {  	_ =	shalt  }
0x84: {  	_ =	shalt  }
0x85: {  	_ =	shalt  }
0x86: {  	_ =	shalt  }
0x87: {  	_ =	shalt  }
.Lfunc_end0:
.L_simem_size_0:
called_computation.1_lowered:
.L_overlay_start_0:
0x88: {  	s2 =	sld [smem:$0x3FD9]  }
0x89: {  	s3 =	sld [smem:$0x3FFE];
	_ =	sdelay $0x1  }
0x8a: {  	s1 =	srdreg.scid  }
0x8b: {  	s0 =	sand.u32 $0x1, s1  }
0x8c: {  	s16 =	sshll.u32 s0, $0xA;
	s2 =	sadd.s32 s3, s2  }
0x8d: {  	s2 =	sadd.s32 s2, s16  }
0x8e: {  	[smem:$0x3FC2] =	sst s2  }
0x8f: {  	_ = 	snop  }
0x90: {  	(tm) =	ssettm $0x1  }
0x91: {  	s17 =	sld [smem:$0x3FFB];
	_ =	sdelay $0x3  }
0x92: {  	_ =	strace s17  }
0x93: {  	s2 =	sld [smem:$0x3FFC];
	_ =	sdelay $0x3  }
0x94: {  	_ =	strace s2  }
0x95: {  	s2 =	sld [smem:$0x3FFD];
	_ =	sdelay $0x3  }
0x96: {  	_ =	strace s2  }
0x97: {  	_ =	strace $0x8FFFFFFF  }
0x98: {  	s18 =	sld [smem:$0x3FDB];
	_ =	sdelay $0x1  }
0x99: {  	s19 =	simm.s32 $_scs_section_size  }
0x9a: {  	s4 =	simm.s32 $_size__tile_overlayer_lowered;
	s5 =	simm.s32 $_tile_overlayer_lowered  }
0x9b: {  	s22 =	simm.s32 $0x1BFF;
	s21 =	sshll.u32 s5, $0x1;
	s2 =	sadd.s32 s19, s18  }
0x9c: {  	s6 =	simm.s32 $0x0;
	s20 =	sshll.u32 s4, $0x1;
	s4 =	sadd.s32 s21, s2  }
0x9d: {  	[timem:s6], [sflag:s22] =	dma.local [hbm:s4], s20  }
0x9e: {  	_ =	swait.ge [sflag:s22], s20  }
0x9f: {  	s3 =	ssub.s32 $0x0, s20;
	[sflag:s22] =	ssyncset.done $0x0  }
0xa0: {  	[sflag:s22] =	ssyncadd.s32 s3;
	_ =	sdelay $0x1  }
0xa1: {  	s23 =	simm.s32 $0x1B8B  }
0xa2: {  	_ =	swait.ge [sflag:s23], $0x1  }
0xa3: {  	[sflag:s23] =	ssyncset.done $0x0  }
0xa4: {  	s25 =	simm.s32 $0x1B8E;
	s24 =	sld [smem:$0x3FFE];
	[sflag:s23] =	ssyncadd.s32 $0xFFFFFFFF  }
0xa5: {  	s26 =	simm.s32 $execute0_lowered;
	[smem:$0x3FD2] =	sst s25  }
0xa6: {  	s4 =	sshll.u32 s26, $0x1;
	_ =	strace $0x80000049;
	[dreg:$0x1] =	wrdreg $0xFFFFFFFF  }
0xa7: {  	s28 =	simm.s32 $_size_execute0_lowered;
	s2 =	sadd.s32 s2, s4;
	[dreg:$0x0] =	wrdreg $0x0  }
0xa8: {  	s4 =	sshll.u32 s28, $0x1;
	[dreg:$0x2] =	wrdreg s2  }
0xa9: {  	[dreg:$0x3] =	wrdreg s4  }
0xaa: {  	[dreg:$0x4] =	wrdreg $0xC0  }
0xab: {  	_ =	task [dreg:s6], $0x5FFFF  }
0xac: {  	[dreg:$0x1] =	wrdreg $0xFFFFFFFF  }
0xad: {  	[dreg:$0x0] =	wrdreg $0x60  }
0xae: {  	[dreg:$0x2] =	wrdreg s24  }
0xaf: {  	[dreg:$0x3] =	wrdreg $0x148200  }
0xb0: {  	[dreg:$0x4] =	wrdreg $0x170200  }
0xb1: {  	[dreg:$0x5] =	wrdreg $0x9  }
0xb2: {  	_ =	task.clear_ibuf [dreg:s6], $0x6FFFF;
	_ =	strace $0x90000049  }
0xb3: {  	s29 =	simm.s32 $0x9;
	_ =	strace $0x8000004B  }
0xb4: {  	_ =	swait.ge [sflag:s29], $0x1  }
0xb5: {  	[sflag:s29] =	ssyncadd.s32 $0xFFFFFFFF  }
0xb6: {  	_ =	strace $0x9000004B  }
0xb7: {  	_ =	sfence  }
0xb8: {  	s30 =	sld [smem:$0x0];
	_ =	sdelay $0x2  }
0xb9: {  	s31 =	sshll.u32 s1, $0xD;
	s1 =	sshrl.u32 s1, $0x2  }
0xba: {  	s3 =	sand.u32 $0x4000, s31;
	s1 =	sadd.s32 s1, s30  }
0xbb: {  	s0 =	sor.u32 s3, s0;
	s1 =	sshll.u32 s1, $0x11  }
0xbc: {  	s0 =	sor.u32 s1, s0  }
0xbd: {  	s0 =	sadd.s32 $0x8F2B, s0  }
0xbe: {  	[sflag:s0] =	ssyncadd.remote.s32 $0x1  }
0xbf: {  	_ =	sfence.sel $0xFFFF  }
0xc0: {  	[dreg:$0x0] =	wrdreg $0xFFFFFFFF;
	(pc) =	sbr.abs _section_cstart, $3  }
0xc1: {  	[dreg:$0x1] =	wrdreg $0xFFFFFFFF  }
0xc2: {  	_ =	task.clear_ibuf [dreg:s6], $0x2FFFF;
	_ =	strace $0x9FFFFFFF  }
0xc3: {  	(tm) =	ssettm $0x7FFFFFFF  }
tec
execute0_lowered:
.L_overlay_start_1:
0x0: {  	(tag) =	ssettag $0x1  }
0x1: {  	s26 =	rddreg [dreg:$0x0];
	s0 =	stileid.u32  }
0x2: {  	s1 =	srdreg.scid;
	s2 =	rddreg [dreg:$0x1]  }
0x3: {  	s3 =	rddreg [dreg:$0x2];
	s4 =	simm.s32 $0x0;
	s28 =	sand.u32 $0x1, s1  }
0x4: {  	s30 =	sshll.u32 s0, $0x1;
	s25 =	smul.u32 $0x2800, s0;
	s1 =	rddreg [dreg:$0x3]  }
0x5: {  	[smem:$0x7FF] =	sst s4;
	s29 =	sshll.u32 s0, $0x6;
	s5 =	sor.u32 s28, s30  }
0x6: {  	_ =	strace $0x8000004A;
	s9 =	sor.u32 $0x1C01, s29;
	s5 =	smul.u32 $0x2710, s5  }
0x7: {  	s6 =	sshrl.u32 s25, $0x3;
	s8 =	sadd.s32 s25, s2;
	s10 =	sadd.s32 s25, s3  }
0x8: {  	s6 =	sadd.s32 s6, s26;
	s8 =	sshrl.u32 s8, $0x3;
	s5 =	sshrl.u32 s5, $0x3  }
0x9: {  	s11 =	sshrl.u32 s10, $0x3;
	s10 =	simm.s32 $0x3;
	s12 =	sadd.s32 s5, s26  }
0xa: {  	s5 =	sadd.s32 $0x16200, s6;
	s6 =	sor.u32 $0x1C02, s29;
	s7 =	sadd.s32 $0x2800, s12  }
0xb: {  	[spmem:s8], [sflag:s6] =	dma.local [hbm:s5], $0x500  }
0xc: {  	[spmem:s11], [sflag:s9] =	dma.local [hbm:s5], $0x500  }
0xd: {  	[tilespmem:s4], [sflag:$0x3] =	stream.linear.gather [hbm4b:s7+s4], $0x2710, $0x38;
	[tilespmem:$0x19820] =	vst v63  }
0xe: {  	_ =	swait.ge [sflag:s10], $0x2710  }
0xf: {  	[sflag:s10] =	ssyncset.done $0x0  }
0x10: {  	s13 =	simm.s32 $0x2710;
	s12 =	sadd.s32 $0xC440, s12;
	[sflag:s10] =	ssyncadd.s32 $0xFFFFD8F0  }
0x11: {  	[tilespmem:s13], [sflag:$0x3] =	stream.linear.gather [hbm4b:s12+s4], $0x2710, $0x38;
	[tilespmem:$0x19820] =	vst v63  }
0x12: {  	_ =	swait.ge [sflag:s10], $0x2710  }
0x13: {  	[sflag:s10] =	ssyncset.done $0x0  }
0x14: {  	s14 =	simm.s32 $0x2;
	[sflag:s10] =	ssyncadd.s32 $0xFFFFD8F0  }
0x15: {  	_ =	swait.ge [sflag:s14], $0x500  }
0x16: {  	[sflag:s14] =	ssyncset.done $0x0  }
0x17: {  	s15 =	simm.s32 $0x1;
	[sflag:s14] =	ssyncadd.s32 $0xFFFFFB00  }
0x18: {  	_ =	swait.ge [sflag:s15], $0x500  }
0x19: {  	[sflag:s15] =	ssyncset.done $0x0  }
0x1a: {  	[sflag:s15] =	ssyncadd.s32 $0xFFFFFB00  }
0x1b: {  	s16 =	simm.s32 $0x7D0;
	s17 =	simm.s32 $0x4E20;
	[bflag:$0x0] =	sbarrier.arrive $0xFFFF  }
0x1c: {  	[tilespmem:s17], [sflag:$0x1] =	stream.indirect.gather [spmem:s2], $0x10, s4, s16, $0xb8;
	[tilespmem:$0x19820] =	vst v63  }
0x1d: {  	s18 =	simm.s32 $0xCB20  }
0x1e: {  	[tilespmem:s18], [sflag:$0x2] =	stream.indirect.gather [spmem:s2], $0x10, s16, s16, $0xb8;
	[tilespmem:$0x19820] =	vst v63  }
0x1f: {  	_ =	swait.ge [sflag:s15], $0x7D00  }
0x20: {  	[sflag:s15] =	ssyncset.done $0x0  }
0x21: {  	[sflag:s15] =	ssyncadd.s32 $0xFFFF8300  }
0x22: {  	[spmem:s3] =	stream.indirect.scatter.add.f32 [tilespmem:s17], [sflag:$0x3], $0x10, s13, s16, $0xb8;
	[tilespmem:$0x19820] =	vst v63  }
0x23: {  	_ =	swait.ge [sflag:s10], $0x7D00  }
0x24: {  	[sflag:s10] =	ssyncset.done $0x0  }
0x25: {  	s19 =	simm.s32 $0xFA0;
	[sflag:s10] =	ssyncadd.s32 $0xFFFF8300  }
0x26: {  	[tilespmem:s17], [sflag:$0x1] =	stream.indirect.gather [spmem:s2], $0x10, s19, s16, $0xb8;
	[tilespmem:$0x19820] =	vst v63  }
0x27: {  	_ =	swait.ge [sflag:s14], $0x7D00  }
0x28: {  	[sflag:s14] =	ssyncset.done $0x0  }
0x29: {  	s20 =	simm.s32 $0x2EE0;
	[sflag:s14] =	ssyncadd.s32 $0xFFFF8300  }
0x2a: {  	[spmem:s3] =	stream.indirect.scatter.add.f32 [tilespmem:s18], [sflag:$0x3], $0x10, s20, s16, $0xb8;
	[tilespmem:$0x19820] =	vst v63  }
0x2b: {  	_ =	swait.ge [sflag:s10], $0x7D00  }
0x2c: {  	[sflag:s10] =	ssyncset.done $0x0  }
0x2d: {  	s21 =	simm.s32 $0x1770;
	[sflag:s10] =	ssyncadd.s32 $0xFFFF8300  }
0x2e: {  	[tilespmem:s18], [sflag:$0x2] =	stream.indirect.gather [spmem:s2], $0x10, s21, s16, $0xb8;
	[tilespmem:$0x19820] =	vst v63  }
0x2f: {  	_ =	swait.ge [sflag:s15], $0x7D00  }
0x30: {  	[sflag:s15] =	ssyncset.done $0x0  }
0x31: {  	s22 =	simm.s32 $0x36B0;
	[sflag:s15] =	ssyncadd.s32 $0xFFFF8300  }
0x32: {  	[spmem:s3] =	stream.indirect.scatter.add.f32 [tilespmem:s17], [sflag:$0x3], $0x10, s22, s16, $0xb8;
	[tilespmem:$0x19820] =	vst v63  }
0x33: {  	_ =	swait.ge [sflag:s10], $0x7D00  }
0x34: {  	[sflag:s10] =	ssyncset.done $0x0  }
0x35: {  	s23 =	simm.s32 $0x1F40;
	[sflag:s10] =	ssyncadd.s32 $0xFFFF8300  }
0x36: {  	[tilespmem:s17], [sflag:$0x1] =	stream.indirect.gather [spmem:s2], $0x10, s23, s16, $0xb8;
	[tilespmem:$0x19820] =	vst v63  }
0x37: {  	_ =	swait.ge [sflag:s14], $0x7D00  }
0x38: {  	[sflag:s14] =	ssyncset.done $0x0  }
0x39: {  	s24 =	simm.s32 $0x3E80;
	[sflag:s14] =	ssyncadd.s32 $0xFFFF8300  }
0x3a: {  	[spmem:s3] =	stream.indirect.scatter.add.f32 [tilespmem:s18], [sflag:$0x3], $0x10, s24, s16, $0xb8;
	[tilespmem:$0x19820] =	vst v63  }
0x3b: {  	_ =	swait.ge [sflag:s10], $0x7D00  }
0x3c: {  	[sflag:s10] =	ssyncset.done $0x0  }
0x3d: {  	s30 =	smul.u32 $0x28000, s28;
	s28 =	ssub.s32 $0x2, s28;
	[sflag:s10] =	ssyncadd.s32 $0xFFFF8300  }
0x3e: {  	s31 =	sshrl.u32 s28, $0x1;
	_ =	swait.ge [sflag:s15], $0x7D00  }
0x3f: {  	s30 =	sadd.s32 s25, s30;
	s25 =	simm.s32 $0x4650;
	[sflag:s15] =	ssyncset.done $0x0  }
0x40: {  	s28 =	ssub.s32 s28, s31;
	s30 =	sshrl.u32 s30, $0x3;
	[sflag:s15] =	ssyncadd.s32 $0xFFFF8300  }
0x41: {  	[spmem:s3] =	stream.indirect.scatter.add.f32 [tilespmem:s17], [sflag:$0x3], $0x10, s25, s16, $0xb8;
	[tilespmem:$0x19820] =	vst v63  }
0x42: {  	s26 =	sadd.s32 s30, s26;
	s30 =	smax.u32 s28, $0x1;
	_ =	swait.ge [sflag:s10], $0x7D00  }
0x43: {  	p0 =	sne.s32 s30, $0x1;
	[sflag:s10] =	ssyncset.done $0x0  }
.Ltmp0:
0x44: {  	[sflag:s10] =	ssyncadd.s32 $0xFFFF8300;
	(pc) =	sbr.rel @!p0 .LBB2_2-.Ltmp0, $4  }
0x45: {  	s28 =	sor.u32 $0x1C03, s29;
	s26 =	sadd.s32 $0x1B200, s26;
	[bflag:$0x0] =	sbarrier.arrive $0xFFFF  }
0x46: {  	[hbm:s26], [sflag:s28] =	dma.local [spmem:s11], $0x500  }
0x47: {  	_ =	swait.ge [sflag:s10], $0x500  }
0x48: {  	s29 =	sadd.s32 $0xFFFFFFFF, s30;
	[sflag:s10] =	ssyncset.done $0x0  }
.LBB2_1:
0x49: {  	p0 =	sne.s32 s29, $0x1;
	s29 =	sadd.s32 $0xFFFFFFFF, s29;
	[sflag:s10] =	ssyncadd.s32 $0xFFFFFB00  }
0x4a: {  	[spmem:s8], [sflag:s6] =	dma.local [hbm:s5], $0x500  }
0x4b: {  	[spmem:s11], [sflag:s9] =	dma.local [hbm:s5], $0x500  }
0x4c: {  	[tilespmem:s4], [sflag:$0x3] =	stream.linear.gather [hbm4b:s7+s4], $0x2710, $0x38;
	[tilespmem:$0x19820] =	vst v63  }
0x4d: {  	_ =	swait.ge [sflag:s10], $0x2710  }
0x4e: {  	[sflag:s10] =	ssyncset.done $0x0  }
0x4f: {  	[sflag:s10] =	ssyncadd.s32 $0xFFFFD8F0  }
0x50: {  	[tilespmem:s13], [sflag:$0x3] =	stream.linear.gather [hbm4b:s12+s4], $0x2710, $0x38;
	[tilespmem:$0x19820] =	vst v63  }
0x51: {  	_ =	swait.ge [sflag:s10], $0x2710  }
0x52: {  	[sflag:s10] =	ssyncset.done $0x0  }
0x53: {  	[sflag:s10] =	ssyncadd.s32 $0xFFFFD8F0  }
0x54: {  	_ =	swait.ge [sflag:s14], $0x500  }
0x55: {  	[sflag:s14] =	ssyncset.done $0x0  }
0x56: {  	[sflag:s14] =	ssyncadd.s32 $0xFFFFFB00  }
0x57: {  	_ =	swait.ge [sflag:s15], $0x500  }
0x58: {  	[sflag:s15] =	ssyncset.done $0x0  }
0x59: {  	[sflag:s15] =	ssyncadd.s32 $0xFFFFFB00  }
0x5a: {  	[bflag:$0x0] =	sbarrier.arrive $0xFFFF  }
0x5b: {  	[tilespmem:s17], [sflag:$0x1] =	stream.indirect.gather [spmem:s2], $0x10, s4, s16, $0xb8;
	[tilespmem:$0x19820] =	vst v63  }
0x5c: {  	_ = 	snop  }
0x5d: {  	[tilespmem:s18], [sflag:$0x2] =	stream.indirect.gather [spmem:s2], $0x10, s16, s16, $0xb8;
	[tilespmem:$0x19820] =	vst v63  }
0x5e: {  	_ =	swait.ge [sflag:s15], $0x7D00  }
0x5f: {  	[sflag:s15] =	ssyncset.done $0x0  }
0x60: {  	[sflag:s15] =	ssyncadd.s32 $0xFFFF8300  }
0x61: {  	[spmem:s3] =	stream.indirect.scatter.add.f32 [tilespmem:s17], [sflag:$0x3], $0x10, s13, s16, $0xb8;
	[tilespmem:$0x19820] =	vst v63  }
0x62: {  	_ =	swait.ge [sflag:s10], $0x7D00  }
0x63: {  	[sflag:s10] =	ssyncset.done $0x0  }
0x64: {  	[sflag:s10] =	ssyncadd.s32 $0xFFFF8300  }
0x65: {  	[tilespmem:s17], [sflag:$0x1] =	stream.indirect.gather [spmem:s2], $0x10, s19, s16, $0xb8;
	[tilespmem:$0x19820] =	vst v63  }
0x66: {  	_ =	swait.ge [sflag:s14], $0x7D00  }
0x67: {  	[sflag:s14] =	ssyncset.done $0x0  }
0x68: {  	[sflag:s14] =	ssyncadd.s32 $0xFFFF8300  }
0x69: {  	[spmem:s3] =	stream.indirect.scatter.add.f32 [tilespmem:s18], [sflag:$0x3], $0x10, s20, s16, $0xb8;
	[tilespmem:$0x19820] =	vst v63  }
0x6a: {  	_ =	swait.ge [sflag:s10], $0x7D00  }
0x6b: {  	[sflag:s10] =	ssyncset.done $0x0  }
0x6c: {  	[sflag:s10] =	ssyncadd.s32 $0xFFFF8300  }
0x6d: {  	[tilespmem:s18], [sflag:$0x2] =	stream.indirect.gather [spmem:s2], $0x10, s21, s16, $0xb8;
	[tilespmem:$0x19820] =	vst v63  }
0x6e: {  	_ =	swait.ge [sflag:s15], $0x7D00  }
0x6f: {  	[sflag:s15] =	ssyncset.done $0x0  }
0x70: {  	[sflag:s15] =	ssyncadd.s32 $0xFFFF8300  }
0x71: {  	[spmem:s3] =	stream.indirect.scatter.add.f32 [tilespmem:s17], [sflag:$0x3], $0x10, s22, s16, $0xb8;
	[tilespmem:$0x19820] =	vst v63  }
0x72: {  	_ =	swait.ge [sflag:s10], $0x7D00  }
0x73: {  	[sflag:s10] =	ssyncset.done $0x0  }
0x74: {  	[sflag:s10] =	ssyncadd.s32 $0xFFFF8300  }
0x75: {  	[tilespmem:s17], [sflag:$0x1] =	stream.indirect.gather [spmem:s2], $0x10, s23, s16, $0xb8;
	[tilespmem:$0x19820] =	vst v63  }
0x76: {  	_ =	swait.ge [sflag:s14], $0x7D00  }
0x77: {  	[sflag:s14] =	ssyncset.done $0x0  }
0x78: {  	[sflag:s14] =	ssyncadd.s32 $0xFFFF8300  }
0x79: {  	[spmem:s3] =	stream.indirect.scatter.add.f32 [tilespmem:s18], [sflag:$0x3], $0x10, s24, s16, $0xb8;
	[tilespmem:$0x19820] =	vst v63  }
0x7a: {  	_ =	swait.ge [sflag:s10], $0x7D00  }
0x7b: {  	[sflag:s10] =	ssyncset.done $0x0  }
0x7c: {  	[sflag:s10] =	ssyncadd.s32 $0xFFFF8300  }
0x7d: {  	_ =	swait.ge [sflag:s15], $0x7D00  }
0x7e: {  	[sflag:s15] =	ssyncset.done $0x0  }
0x7f: {  	[sflag:s15] =	ssyncadd.s32 $0xFFFF8300  }
0x80: {  	[spmem:s3] =	stream.indirect.scatter.add.f32 [tilespmem:s17], [sflag:$0x3], $0x10, s25, s16, $0xb8;
	[tilespmem:$0x19820] =	vst v63  }
0x81: {  	_ =	swait.ge [sflag:s10], $0x7D00  }
0x82: {  	[sflag:s10] =	ssyncset.done $0x0  }
.Ltmp1:
0x83: {  	[sflag:s10] =	ssyncadd.s32 $0xFFFF8300;
	(pc) =	sbr.rel @p0 .LBB2_1-.Ltmp1, $4  }
0x84: {  	[bflag:$0x0] =	sbarrier.arrive $0xFFFF  }
0x85: {  	[hbm:s26], [sflag:s28] =	dma.local [spmem:s11], $0x500  }
0x86: {  	_ =	swait.ge [sflag:s10], $0x500  }
0x87: {  	[sflag:s10] =	ssyncset.done $0x0  }
.LBB2_2:
0x88: {  	[sflag:s10] =	ssyncadd.s32 $0xFFFFFB00  }
0x89: {  	_ =	sfence.sel $0x180000  }
0x8a: {  	[bflag:$0x0] =	sbarrier.arrive $0xFFFF  }
0x8b: {  	p0 =	sne.s32 s0, $0x0;
	_ =	strace $0x9000004A  }
0x8c: {  	s0 =	sadd.s32 @!p0 $0x100000, s1;
	[bflag:$0x2] =	sbarrier.arrive $0xFFFF  }
0x8d: {  	[sflag:s0] =	ssyncadd.tile.s32 @!p0 $0x1;
	_ =	shalt  }
.Lfunc_end2:
_tile_overlayer_lowered:
.L_overlay_start_2:
0x8e: {  	(tag) =	ssettag $0x2  }
0x8f: {  	s0 =	rddreg [dreg:$0x0];
	s2 =	stileid.u32  }
0x90: {  	s1 =	rddreg [dreg:$0x1];
	p0 =	sne.s32 s2, $0x0  }
0x91: {  	s3 =	rddreg [dreg:$0x2];
	[bflag:$0x3] =	sbarrier.arrive $0xFFFF;
	s2 =	simm.s32 @!p0 $0x1C03  }
0x92: {  	[timem:s3], [sflag:s2] =	dma.local @!p0 [hbm:s0], s1  }
0x93: {  	s0 =	simm.s32 @!p0 $0x3  }
0x94: {  	_ =	swait.ge @!p0 [sflag:s0], s1  }
0x95: {  	s1 =	ssub.s32 @!p0 $0x0, s1;
	[sflag:s0] =	ssyncset.done @!p0 $0x0  }
0x96: {  	[sflag:s0] =	ssyncadd.s32 @!p0 s1  }
0x97: {  	[bflag:$0x3] =	sbarrier.arrive $0xFFFF  }
0x98: {  	_ =	shalt  }

// kernel: kernel.15.cloned.1.call-start
scs
__scs_entry_jumppad:
0x0: {  	(pc) =	sbr.rel $0x88, $3  }
0x1: {  	(tag) =	ssettag $0x0;
	lr =	simm.s32 $0x1  }
0x2: {  	[smem:$0x3F9B] =	sst lr;
	_ =	strace $0xD0000000  }
0x3: {  	_ = 	snop  }
0x4: {  	_ = 	snop  }
0x5: {  	_ = 	snop  }
0x6: {  	_ = 	snop  }
0x7: {  	_ = 	snop  }
__scs_overlays_trampoline_lowered:
0x8: {  	[smem:$0x3FAA] =	sst s0  }
0x9: {  	[smem:$0x3FAB] =	sst s1  }
0xa: {  	[smem:$0x3FAC] =	sst s2  }
0xb: {  	[smem:$0x3FAD] =	sst s3  }
0xc: {  	[smem:$0x3FAE] =	sst s4  }
0xd: {  	[smem:$0x3FAF] =	sst s5  }
0xe: {  	[smem:$0x3FB0] =	sst s6  }
0xf: {  	[smem:$0x3FB1] =	sst s7  }
0x10: {  	[smem:$0x3FB2] =	sst s8  }
0x11: {  	[smem:$0x3FB3] =	sst s9;
	s0 =	simm.s32 @!p0 $0x0  }
0x12: {  	s1 =	sld [smem:$0x3F99];
	s0 =	simm.s32 @p0 $0x1  }
0x13: {  	[smem:$0x3FB4] =	sst s0;
	s0 =	simm.s32 @!p1 $0x0  }
0x14: {  	s2 =	sld [smem:$0x3F98];
	s0 =	simm.s32 @p1 $0x1  }
0x15: {  	[smem:$0x3FB5] =	sst s0;
	s0 =	simm.s32 @!p2 $0x0  }
0x16: {  	s3 =	sld [smem:$0x3FDB];
	s0 =	simm.s32 @p2 $0x1  }
0x17: {  	s4 =	simm.s32 $0x1BF5;
	[smem:$0x3FB7] =	sst s0  }
0x18: {  	s0 =	sld [smem:$0x3F9A];
	_ =	swait.ge [sflag:s4], $0x0  }
0x19: {  	s7 =	sld [smem:$0x3F9B]  }
0x1a: {  	s8 =	sadd.s32 $0xFFFFE003, lr  }
0x1b: {  	s9 =	sadd.s32 $0xFFFFFEF7, lr;
	s5 =	simm.s32 $0xFFFFFFFF;
	p2 =	slt.u32 s8, $0xFFFFF086  }
0x1c: {  	p1 =	slt.u32 s9, $0xF7A;
	s5 =	simm.s32 @!p2 $0x0  }
0x1d: {  	s5 =	simm.s32 @p1 $0x1;
	p0 =	seq.s32 s7, s2  }
0x1e: {  	s7 =	smul.u32 @!p0 $0xF7A, s2;
	p2 =	seq.s32 @!p0 s5, $0x0  }
0x1f: {  	s9 =	smul.u32 $0xF7A, s1;
	s8 =	simm.s32 @!p0 $0x1BF5;
	p2 =	por !p2, p0  }
0x20: {  	[sflag:s8] =	ssyncset.s32 @!p0 $0xFFFFF086;
	s6 =	sadd.s32 @!p0 s3, s7;
	s7 =	simm.s32 @!p0 $0x108  }
0x21: {  	s3 =	sadd.s32 s3, s9;
	s6 =	sadd.s32 @!p0 $0x88, s6;
	s7 =	simm.s32 @p2 $0x1082  }
0x22: {  	[simem:s7], [sflag:s8] =	dma.local @!p0 [hbm:s6], $0xF7A  }
0x23: {  	s9 =	sor.u32 $0xD0000000, s2;
	s6 =	simm.s32 $0x108;
	_ =	swait.ge @!p0 [sflag:s8], $0x0  }
0x24: {  	s3 =	sadd.s32 $0x88, s3;
	s6 =	simm.s32 @!p1 $0x1082;
	[sflag:s4] =	ssyncset.s32 $0xFFFFF086  }
0x25: {  	[simem:s6], [sflag:s4] =	dma.local [hbm:s3], $0xF7A  }
0x26: {  	[smem:$0x3F9B] =	sst s1;
	(tag) =	ssettag s2;
	_ =	strace s9  }
0x27: {  	s1 =	sld [smem:$0x3FAB]  }
0x28: {  	s2 =	sld [smem:$0x3FAC]  }
0x29: {  	s4 =	sld [smem:$0x3FAE]  }
0x2a: {  	p0 =	seq.s32 s5, $0x0;
	s5 =	sld [smem:$0x3FAF]  }
0x2b: {  	s6 =	sld [smem:$0x3FB0]  }
0x2c: {  	s7 =	sld [smem:$0x3FB1]  }
0x2d: {  	s3 =	simm.s32 $0x108;
	s8 =	sld [smem:$0x3FB2]  }
0x2e: {  	s3 =	simm.s32 @!p0 $0x1082;
	s9 =	sld [smem:$0x3FB3]  }
0x2f: {  	lr =	sadd.s32 s0, s3;
	s0 =	sld [smem:$0x3FAA]  }
0x30: {  	s3 =	sld [smem:$0x3FAD]  }
0x31: {  	[smem:$0x3FB6] =	sst s10  }
0x32: {  	s10 =	sld [smem:$0x3FB4];
	_ =	sdelay $0x3  }
0x33: {  	p0 =	seq.s32 s10, $0x1;
	s10 =	sld [smem:$0x3FB6];
	_ =	sdelay $0x3  }
0x34: {  	[smem:$0x3FB6] =	sst s10  }
0x35: {  	s10 =	sld [smem:$0x3FB5];
	_ =	sdelay $0x3  }
0x36: {  	p1 =	seq.s32 s10, $0x1;
	s10 =	sld [smem:$0x3FB6];
	_ =	sdelay $0x3  }
0x37: {  	[smem:$0x3FB6] =	sst s10  }
0x38: {  	s10 =	sld [smem:$0x3FB7]  }
0x39: {  	_ = 	snop;
	(pc) =	sbr.ind lr, $3  }
0x3a: {  	_ = 	snop  }
0x3b: {  	_ = 	snop  }
0x3c: {  	p2 =	seq.s32 s10, $0x1;
	s10 =	sld [smem:$0x3FB6]  }
0x3d: {  	_ =	shalt  }
0x3e: {  	_ =	shalt  }
0x3f: {  	_ =	shalt  }
0x40: {  	_ =	shalt  }
0x41: {  	_ =	shalt  }
0x42: {  	_ =	shalt  }
0x43: {  	_ =	shalt  }
0x44: {  	_ =	shalt  }
0x45: {  	_ =	shalt  }
0x46: {  	_ =	shalt  }
0x47: {  	_ =	shalt  }
0x48: {  	_ =	shalt  }
0x49: {  	_ =	shalt  }
0x4a: {  	_ =	shalt  }
0x4b: {  	_ =	shalt  }
0x4c: {  	_ =	shalt  }
0x4d: {  	_ =	shalt  }
0x4e: {  	_ =	shalt  }
0x4f: {  	_ =	shalt  }
0x50: {  	_ =	shalt  }
0x51: {  	_ =	shalt  }
0x52: {  	_ =	shalt  }
0x53: {  	_ =	shalt  }
0x54: {  	_ =	shalt  }
0x55: {  	_ =	shalt  }
0x56: {  	_ =	shalt  }
0x57: {  	_ =	shalt  }
0x58: {  	_ =	shalt  }
0x59: {  	_ =	shalt  }
0x5a: {  	_ =	shalt  }
0x5b: {  	_ =	shalt  }
0x5c: {  	_ =	shalt  }
0x5d: {  	_ =	shalt  }
0x5e: {  	_ =	shalt  }
0x5f: {  	_ =	shalt  }
0x60: {  	_ =	shalt  }
0x61: {  	_ =	shalt  }
0x62: {  	_ =	shalt  }
0x63: {  	_ =	shalt  }
0x64: {  	_ =	shalt  }
0x65: {  	_ =	shalt  }
0x66: {  	_ =	shalt  }
0x67: {  	_ =	shalt  }
0x68: {  	_ =	shalt  }
0x69: {  	_ =	shalt  }
0x6a: {  	_ =	shalt  }
0x6b: {  	_ =	shalt  }
0x6c: {  	_ =	shalt  }
0x6d: {  	_ =	shalt  }
0x6e: {  	_ =	shalt  }
0x6f: {  	_ =	shalt  }
0x70: {  	_ =	shalt  }
0x71: {  	_ =	shalt  }
0x72: {  	_ =	shalt  }
0x73: {  	_ =	shalt  }
0x74: {  	_ =	shalt  }
0x75: {  	_ =	shalt  }
0x76: {  	_ =	shalt  }
0x77: {  	_ =	shalt  }
0x78: {  	_ =	shalt  }
0x79: {  	_ =	shalt  }
0x7a: {  	_ =	shalt  }
0x7b: {  	_ =	shalt  }
0x7c: {  	_ =	shalt  }
0x7d: {  	_ =	shalt  }
0x7e: {  	_ =	shalt  }
0x7f: {  	_ =	shalt  }
0x80: {  	_ =	shalt  }
0x81: {  	_ =	shalt  }
0x82: {  	_ =	shalt  }
0x83: {  	_ =	shalt  }
0x84: {  	_ =	shalt  }
0x85: {  	_ =	shalt  }
0x86: {  	_ =	shalt  }
0x87: {  	_ =	shalt  }
.Lfunc_end0:
.L_simem_size_0:
called_computation.2_lowered:
.L_overlay_start_0:
0x88: {  	s2 =	sld [smem:$0x3FD9]  }
0x89: {  	s3 =	sld [smem:$0x3FFE];
	_ =	sdelay $0x1  }
0x8a: {  	s1 =	srdreg.scid  }
0x8b: {  	s0 =	sand.u32 $0x1, s1  }
0x8c: {  	s16 =	sshll.u32 s0, $0xA;
	s2 =	sadd.s32 s3, s2  }
0x8d: {  	s2 =	sadd.s32 s2, s16  }
0x8e: {  	[smem:$0x3FC2] =	sst s2  }
0x8f: {  	_ = 	snop  }
0x90: {  	(tm) =	ssettm $0x1  }
0x91: {  	s17 =	sld [smem:$0x3FFB];
	_ =	sdelay $0x3  }
0x92: {  	_ =	strace s17  }
0x93: {  	s2 =	sld [smem:$0x3FFC];
	_ =	sdelay $0x3  }
0x94: {  	_ =	strace s2  }
0x95: {  	s2 =	sld [smem:$0x3FFD];
	_ =	sdelay $0x3  }
0x96: {  	_ =	strace s2  }
0x97: {  	_ =	strace $0x8FFFFFFF  }
0x98: {  	s18 =	sld [smem:$0x3FDB];
	_ =	sdelay $0x1  }
0x99: {  	s19 =	simm.s32 $_scs_section_size  }
0x9a: {  	s4 =	simm.s32 $_size__tile_overlayer_lowered;
	s5 =	simm.s32 $_tile_overlayer_lowered  }
0x9b: {  	s22 =	simm.s32 $0x1BFF;
	s21 =	sshll.u32 s5, $0x1;
	s2 =	sadd.s32 s19, s18  }
0x9c: {  	s6 =	simm.s32 $0x0;
	s20 =	sshll.u32 s4, $0x1;
	s4 =	sadd.s32 s21, s2  }
0x9d: {  	[timem:s6], [sflag:s22] =	dma.local [hbm:s4], s20  }
0x9e: {  	_ =	swait.ge [sflag:s22], s20  }
0x9f: {  	s3 =	ssub.s32 $0x0, s20;
	[sflag:s22] =	ssyncset.done $0x0  }
0xa0: {  	[sflag:s22] =	ssyncadd.s32 s3;
	_ =	sdelay $0x1  }
0xa1: {  	s23 =	simm.s32 $0x1B8B  }
0xa2: {  	_ =	swait.ge [sflag:s23], $0x1  }
0xa3: {  	[sflag:s23] =	ssyncset.done $0x0  }
0xa4: {  	s25 =	simm.s32 $0x1B8E;
	s24 =	sld [smem:$0x3FFE];
	[sflag:s23] =	ssyncadd.s32 $0xFFFFFFFF  }
0xa5: {  	s26 =	simm.s32 $execute0_lowered;
	[smem:$0x3FD2] =	sst s25  }
0xa6: {  	s4 =	sshll.u32 s26, $0x1;
	_ =	strace $0x8000004C;
	[dreg:$0x1] =	wrdreg $0xFFFFFFFF  }
0xa7: {  	s28 =	simm.s32 $_size_execute0_lowered;
	s2 =	sadd.s32 s2, s4;
	[dreg:$0x0] =	wrdreg $0x0  }
0xa8: {  	s4 =	sshll.u32 s28, $0x1;
	[dreg:$0x2] =	wrdreg s2  }
0xa9: {  	[dreg:$0x3] =	wrdreg s4  }
0xaa: {  	[dreg:$0x4] =	wrdreg $0xC0  }
0xab: {  	_ =	task [dreg:s6], $0x5FFFF  }
0xac: {  	[dreg:$0x1] =	wrdreg $0xFFFFFFFF  }
0xad: {  	[dreg:$0x0] =	wrdreg $0x60  }
0xae: {  	[dreg:$0x2] =	wrdreg s24  }
0xaf: {  	[dreg:$0x3] =	wrdreg $0x148200  }
0xb0: {  	[dreg:$0x4] =	wrdreg $0x170200  }
0xb1: {  	[dreg:$0x5] =	wrdreg $0x9  }
0xb2: {  	_ =	task.clear_ibuf [dreg:s6], $0x6FFFF;
	_ =	strace $0x9000004C  }
0xb3: {  	s29 =	simm.s32 $0x9;
	_ =	strace $0x8000004E  }
0xb4: {  	_ =	swait.ge [sflag:s29], $0x1  }
0xb5: {  	[sflag:s29] =	ssyncadd.s32 $0xFFFFFFFF  }
0xb6: {  	_ =	strace $0x9000004E  }
0xb7: {  	_ =	sfence  }
0xb8: {  	s30 =	sld [smem:$0x0];
	_ =	sdelay $0x2  }
0xb9: {  	s31 =	sshll.u32 s1, $0xD;
	s1 =	sshrl.u32 s1, $0x2  }
0xba: {  	s3 =	sand.u32 $0x4000, s31;
	s1 =	sadd.s32 s1, s30  }
0xbb: {  	s0 =	sor.u32 s3, s0;
	s1 =	sshll.u32 s1, $0x11  }
0xbc: {  	s0 =	sor.u32 s1, s0  }
0xbd: {  	s0 =	sadd.s32 $0x8F2B, s0  }
0xbe: {  	[sflag:s0] =	ssyncadd.remote.s32 $0x1  }
0xbf: {  	_ =	sfence.sel $0xFFFF  }
0xc0: {  	[dreg:$0x0] =	wrdreg $0xFFFFFFFF;
	(pc) =	sbr.abs _section_cstart, $3  }
0xc1: {  	[dreg:$0x1] =	wrdreg $0xFFFFFFFF  }
0xc2: {  	_ =	task.clear_ibuf [dreg:s6], $0x2FFFF;
	_ =	strace $0x9FFFFFFF  }
0xc3: {  	(tm) =	ssettm $0x7FFFFFFF  }
tec
execute0_lowered:
.L_overlay_start_1:
0x0: {  	(tag) =	ssettag $0x1  }
0x1: {  	s26 =	rddreg [dreg:$0x0];
	s0 =	stileid.u32  }
0x2: {  	s1 =	srdreg.scid;
	s2 =	rddreg [dreg:$0x1]  }
0x3: {  	s3 =	rddreg [dreg:$0x2];
	s4 =	simm.s32 $0x0;
	s28 =	sand.u32 $0x1, s1  }
0x4: {  	s30 =	sshll.u32 s0, $0x1;
	s25 =	smul.u32 $0x2800, s0;
	s1 =	rddreg [dreg:$0x3]  }
0x5: {  	[smem:$0x7FF] =	sst s4;
	s29 =	sshll.u32 s0, $0x6;
	s5 =	sor.u32 s28, s30  }
0x6: {  	_ =	strace $0x8000004D;
	s9 =	sor.u32 $0x1C01, s29;
	s5 =	smul.u32 $0x2710, s5  }
0x7: {  	s6 =	sshrl.u32 s25, $0x3;
	s8 =	sadd.s32 s25, s2;
	s10 =	sadd.s32 s25, s3  }
0x8: {  	s6 =	sadd.s32 s6, s26;
	s8 =	sshrl.u32 s8, $0x3;
	s5 =	sshrl.u32 s5, $0x3  }
0x9: {  	s11 =	sshrl.u32 s10, $0x3;
	s10 =	simm.s32 $0x3;
	s12 =	sadd.s32 s5, s26  }
0xa: {  	s5 =	sadd.s32 $0x16200, s6;
	s6 =	sor.u32 $0x1C02, s29;
	s7 =	sadd.s32 $0x2800, s12  }
0xb: {  	[spmem:s8], [sflag:s6] =	dma.local [hbm:s5], $0x500  }
0xc: {  	[spmem:s11], [sflag:s9] =	dma.local [hbm:s5], $0x500  }
0xd: {  	[tilespmem:s4], [sflag:$0x3] =	stream.linear.gather [hbm4b:s7+s4], $0x2710, $0x38;
	[tilespmem:$0x19820] =	vst v63  }
0xe: {  	_ =	swait.ge [sflag:s10], $0x2710  }
0xf: {  	[sflag:s10] =	ssyncset.done $0x0  }
0x10: {  	s13 =	simm.s32 $0x2710;
	s12 =	sadd.s32 $0xC440, s12;
	[sflag:s10] =	ssyncadd.s32 $0xFFFFD8F0  }
0x11: {  	[tilespmem:s13], [sflag:$0x3] =	stream.linear.gather [hbm4b:s12+s4], $0x2710, $0x38;
	[tilespmem:$0x19820] =	vst v63  }
0x12: {  	_ =	swait.ge [sflag:s10], $0x2710  }
0x13: {  	[sflag:s10] =	ssyncset.done $0x0  }
0x14: {  	s14 =	simm.s32 $0x2;
	[sflag:s10] =	ssyncadd.s32 $0xFFFFD8F0  }
0x15: {  	_ =	swait.ge [sflag:s14], $0x500  }
0x16: {  	[sflag:s14] =	ssyncset.done $0x0  }
0x17: {  	s15 =	simm.s32 $0x1;
	[sflag:s14] =	ssyncadd.s32 $0xFFFFFB00  }
0x18: {  	_ =	swait.ge [sflag:s15], $0x500  }
0x19: {  	[sflag:s15] =	ssyncset.done $0x0  }
0x1a: {  	[sflag:s15] =	ssyncadd.s32 $0xFFFFFB00  }
0x1b: {  	s16 =	simm.s32 $0x7D0;
	s17 =	simm.s32 $0x4E20;
	[bflag:$0x0] =	sbarrier.arrive $0xFFFF  }
0x1c: {  	[tilespmem:s17], [sflag:$0x1] =	stream.indirect.gather [spmem:s2], $0x10, s4, s16, $0xb8;
	[tilespmem:$0x19820] =	vst v63  }
0x1d: {  	s18 =	simm.s32 $0xCB20  }
0x1e: {  	[tilespmem:s18], [sflag:$0x2] =	stream.indirect.gather [spmem:s2], $0x10, s16, s16, $0xb8;
	[tilespmem:$0x19820] =	vst v63  }
0x1f: {  	_ =	swait.ge [sflag:s15], $0x7D00  }
0x20: {  	[sflag:s15] =	ssyncset.done $0x0  }
0x21: {  	[sflag:s15] =	ssyncadd.s32 $0xFFFF8300  }
0x22: {  	[spmem:s3] =	stream.indirect.scatter.add.f32 [tilespmem:s17], [sflag:$0x3], $0x10, s13, s16, $0xb8;
	[tilespmem:$0x19820] =	vst v63  }
0x23: {  	_ =	swait.ge [sflag:s10], $0x7D00  }
0x24: {  	[sflag:s10] =	ssyncset.done $0x0  }
0x25: {  	s19 =	simm.s32 $0xFA0;
	[sflag:s10] =	ssyncadd.s32 $0xFFFF8300  }
0x26: {  	[tilespmem:s17], [sflag:$0x1] =	stream.indirect.gather [spmem:s2], $0x10, s19, s16, $0xb8;
	[tilespmem:$0x19820] =	vst v63  }
0x27: {  	_ =	swait.ge [sflag:s14], $0x7D00  }
0x28: {  	[sflag:s14] =	ssyncset.done $0x0  }
0x29: {  	s20 =	simm.s32 $0x2EE0;
	[sflag:s14] =	ssyncadd.s32 $0xFFFF8300  }
0x2a: {  	[spmem:s3] =	stream.indirect.scatter.add.f32 [tilespmem:s18], [sflag:$0x3], $0x10, s20, s16, $0xb8;
	[tilespmem:$0x19820] =	vst v63  }
0x2b: {  	_ =	swait.ge [sflag:s10], $0x7D00  }
0x2c: {  	[sflag:s10] =	ssyncset.done $0x0  }
0x2d: {  	s21 =	simm.s32 $0x1770;
	[sflag:s10] =	ssyncadd.s32 $0xFFFF8300  }
0x2e: {  	[tilespmem:s18], [sflag:$0x2] =	stream.indirect.gather [spmem:s2], $0x10, s21, s16, $0xb8;
	[tilespmem:$0x19820] =	vst v63  }
0x2f: {  	_ =	swait.ge [sflag:s15], $0x7D00  }
0x30: {  	[sflag:s15] =	ssyncset.done $0x0  }
0x31: {  	s22 =	simm.s32 $0x36B0;
	[sflag:s15] =	ssyncadd.s32 $0xFFFF8300  }
0x32: {  	[spmem:s3] =	stream.indirect.scatter.add.f32 [tilespmem:s17], [sflag:$0x3], $0x10, s22, s16, $0xb8;
	[tilespmem:$0x19820] =	vst v63  }
0x33: {  	_ =	swait.ge [sflag:s10], $0x7D00  }
0x34: {  	[sflag:s10] =	ssyncset.done $0x0  }
0x35: {  	s23 =	simm.s32 $0x1F40;
	[sflag:s10] =	ssyncadd.s32 $0xFFFF8300  }
0x36: {  	[tilespmem:s17], [sflag:$0x1] =	stream.indirect.gather [spmem:s2], $0x10, s23, s16, $0xb8;
	[tilespmem:$0x19820] =	vst v63  }
0x37: {  	_ =	swait.ge [sflag:s14], $0x7D00  }
0x38: {  	[sflag:s14] =	ssyncset.done $0x0  }
0x39: {  	s24 =	simm.s32 $0x3E80;
	[sflag:s14] =	ssyncadd.s32 $0xFFFF8300  }
0x3a: {  	[spmem:s3] =	stream.indirect.scatter.add.f32 [tilespmem:s18], [sflag:$0x3], $0x10, s24, s16, $0xb8;
	[tilespmem:$0x19820] =	vst v63  }
0x3b: {  	_ =	swait.ge [sflag:s10], $0x7D00  }
0x3c: {  	[sflag:s10] =	ssyncset.done $0x0  }
0x3d: {  	s30 =	smul.u32 $0x28000, s28;
	s28 =	ssub.s32 $0x2, s28;
	[sflag:s10] =	ssyncadd.s32 $0xFFFF8300  }
0x3e: {  	s31 =	sshrl.u32 s28, $0x1;
	_ =	swait.ge [sflag:s15], $0x7D00  }
0x3f: {  	s30 =	sadd.s32 s25, s30;
	s25 =	simm.s32 $0x4650;
	[sflag:s15] =	ssyncset.done $0x0  }
0x40: {  	s28 =	ssub.s32 s28, s31;
	s30 =	sshrl.u32 s30, $0x3;
	[sflag:s15] =	ssyncadd.s32 $0xFFFF8300  }
0x41: {  	[spmem:s3] =	stream.indirect.scatter.add.f32 [tilespmem:s17], [sflag:$0x3], $0x10, s25, s16, $0xb8;
	[tilespmem:$0x19820] =	vst v63  }
0x42: {  	s26 =	sadd.s32 s30, s26;
	s30 =	smax.u32 s28, $0x1;
	_ =	swait.ge [sflag:s10], $0x7D00  }
0x43: {  	p0 =	sne.s32 s30, $0x1;
	[sflag:s10] =	ssyncset.done $0x0  }
.Ltmp0:
0x44: {  	[sflag:s10] =	ssyncadd.s32 $0xFFFF8300;
	(pc) =	sbr.rel @!p0 .LBB2_2-.Ltmp0, $4  }
0x45: {  	s28 =	sor.u32 $0x1C03, s29;
	s26 =	sadd.s32 $0x1B200, s26;
	[bflag:$0x0] =	sbarrier.arrive $0xFFFF  }
0x46: {  	[hbm:s26], [sflag:s28] =	dma.local [spmem:s11], $0x500  }
0x47: {  	_ =	swait.ge [sflag:s10], $0x500  }
0x48: {  	s29 =	sadd.s32 $0xFFFFFFFF, s30;
	[sflag:s10] =	ssyncset.done $0x0  }
.LBB2_1:
0x49: {  	p0 =	sne.s32 s29, $0x1;
	s29 =	sadd.s32 $0xFFFFFFFF, s29;
	[sflag:s10] =	ssyncadd.s32 $0xFFFFFB00  }
0x4a: {  	[spmem:s8], [sflag:s6] =	dma.local [hbm:s5], $0x500  }
0x4b: {  	[spmem:s11], [sflag:s9] =	dma.local [hbm:s5], $0x500  }
0x4c: {  	[tilespmem:s4], [sflag:$0x3] =	stream.linear.gather [hbm4b:s7+s4], $0x2710, $0x38;
	[tilespmem:$0x19820] =	vst v63  }
0x4d: {  	_ =	swait.ge [sflag:s10], $0x2710  }
0x4e: {  	[sflag:s10] =	ssyncset.done $0x0  }
0x4f: {  	[sflag:s10] =	ssyncadd.s32 $0xFFFFD8F0  }
0x50: {  	[tilespmem:s13], [sflag:$0x3] =	stream.linear.gather [hbm4b:s12+s4], $0x2710, $0x38;
	[tilespmem:$0x19820] =	vst v63  }
0x51: {  	_ =	swait.ge [sflag:s10], $0x2710  }
0x52: {  	[sflag:s10] =	ssyncset.done $0x0  }
0x53: {  	[sflag:s10] =	ssyncadd.s32 $0xFFFFD8F0  }
0x54: {  	_ =	swait.ge [sflag:s14], $0x500  }
0x55: {  	[sflag:s14] =	ssyncset.done $0x0  }
0x56: {  	[sflag:s14] =	ssyncadd.s32 $0xFFFFFB00  }
0x57: {  	_ =	swait.ge [sflag:s15], $0x500  }
0x58: {  	[sflag:s15] =	ssyncset.done $0x0  }
0x59: {  	[sflag:s15] =	ssyncadd.s32 $0xFFFFFB00  }
0x5a: {  	[bflag:$0x0] =	sbarrier.arrive $0xFFFF  }
0x5b: {  	[tilespmem:s17], [sflag:$0x1] =	stream.indirect.gather [spmem:s2], $0x10, s4, s16, $0xb8;
	[tilespmem:$0x19820] =	vst v63  }
0x5c: {  	_ = 	snop  }
0x5d: {  	[tilespmem:s18], [sflag:$0x2] =	stream.indirect.gather [spmem:s2], $0x10, s16, s16, $0xb8;
	[tilespmem:$0x19820] =	vst v63  }
0x5e: {  	_ =	swait.ge [sflag:s15], $0x7D00  }
0x5f: {  	[sflag:s15] =	ssyncset.done $0x0  }
0x60: {  	[sflag:s15] =	ssyncadd.s32 $0xFFFF8300  }
0x61: {  	[spmem:s3] =	stream.indirect.scatter.add.f32 [tilespmem:s17], [sflag:$0x3], $0x10, s13, s16, $0xb8;
	[tilespmem:$0x19820] =	vst v63  }
0x62: {  	_ =	swait.ge [sflag:s10], $0x7D00  }
0x63: {  	[sflag:s10] =	ssyncset.done $0x0  }
0x64: {  	[sflag:s10] =	ssyncadd.s32 $0xFFFF8300  }
0x65: {  	[tilespmem:s17], [sflag:$0x1] =	stream.indirect.gather [spmem:s2], $0x10, s19, s16, $0xb8;
	[tilespmem:$0x19820] =	vst v63  }
0x66: {  	_ =	swait.ge [sflag:s14], $0x7D00  }
0x67: {  	[sflag:s14] =	ssyncset.done $0x0  }
0x68: {  	[sflag:s14] =	ssyncadd.s32 $0xFFFF8300  }
0x69: {  	[spmem:s3] =	stream.indirect.scatter.add.f32 [tilespmem:s18], [sflag:$0x3], $0x10, s20, s16, $0xb8;
	[tilespmem:$0x19820] =	vst v63  }
0x6a: {  	_ =	swait.ge [sflag:s10], $0x7D00  }
0x6b: {  	[sflag:s10] =	ssyncset.done $0x0  }
0x6c: {  	[sflag:s10] =	ssyncadd.s32 $0xFFFF8300  }
0x6d: {  	[tilespmem:s18], [sflag:$0x2] =	stream.indirect.gather [spmem:s2], $0x10, s21, s16, $0xb8;
	[tilespmem:$0x19820] =	vst v63  }
0x6e: {  	_ =	swait.ge [sflag:s15], $0x7D00  }
0x6f: {  	[sflag:s15] =	ssyncset.done $0x0  }
0x70: {  	[sflag:s15] =	ssyncadd.s32 $0xFFFF8300  }
0x71: {  	[spmem:s3] =	stream.indirect.scatter.add.f32 [tilespmem:s17], [sflag:$0x3], $0x10, s22, s16, $0xb8;
	[tilespmem:$0x19820] =	vst v63  }
0x72: {  	_ =	swait.ge [sflag:s10], $0x7D00  }
0x73: {  	[sflag:s10] =	ssyncset.done $0x0  }
0x74: {  	[sflag:s10] =	ssyncadd.s32 $0xFFFF8300  }
0x75: {  	[tilespmem:s17], [sflag:$0x1] =	stream.indirect.gather [spmem:s2], $0x10, s23, s16, $0xb8;
	[tilespmem:$0x19820] =	vst v63  }
0x76: {  	_ =	swait.ge [sflag:s14], $0x7D00  }
0x77: {  	[sflag:s14] =	ssyncset.done $0x0  }
0x78: {  	[sflag:s14] =	ssyncadd.s32 $0xFFFF8300  }
0x79: {  	[spmem:s3] =	stream.indirect.scatter.add.f32 [tilespmem:s18], [sflag:$0x3], $0x10, s24, s16, $0xb8;
	[tilespmem:$0x19820] =	vst v63  }
0x7a: {  	_ =	swait.ge [sflag:s10], $0x7D00  }
0x7b: {  	[sflag:s10] =	ssyncset.done $0x0  }
0x7c: {  	[sflag:s10] =	ssyncadd.s32 $0xFFFF8300  }
0x7d: {  	_ =	swait.ge [sflag:s15], $0x7D00  }
0x7e: {  	[sflag:s15] =	ssyncset.done $0x0  }
0x7f: {  	[sflag:s15] =	ssyncadd.s32 $0xFFFF8300  }
0x80: {  	[spmem:s3] =	stream.indirect.scatter.add.f32 [tilespmem:s17], [sflag:$0x3], $0x10, s25, s16, $0xb8;
	[tilespmem:$0x19820] =	vst v63  }
0x81: {  	_ =	swait.ge [sflag:s10], $0x7D00  }
0x82: {  	[sflag:s10] =	ssyncset.done $0x0  }
.Ltmp1:
0x83: {  	[sflag:s10] =	ssyncadd.s32 $0xFFFF8300;
	(pc) =	sbr.rel @p0 .LBB2_1-.Ltmp1, $4  }
0x84: {  	[bflag:$0x0] =	sbarrier.arrive $0xFFFF  }
0x85: {  	[hbm:s26], [sflag:s28] =	dma.local [spmem:s11], $0x500  }
0x86: {  	_ =	swait.ge [sflag:s10], $0x500  }
0x87: {  	[sflag:s10] =	ssyncset.done $0x0  }
.LBB2_2:
0x88: {  	[sflag:s10] =	ssyncadd.s32 $0xFFFFFB00  }
0x89: {  	_ =	sfence.sel $0x180000  }
0x8a: {  	[bflag:$0x0] =	sbarrier.arrive $0xFFFF  }
0x8b: {  	p0 =	sne.s32 s0, $0x0;
	_ =	strace $0x9000004D  }
0x8c: {  	s0 =	sadd.s32 @!p0 $0x100000, s1;
	[bflag:$0x2] =	sbarrier.arrive $0xFFFF  }
0x8d: {  	[sflag:s0] =	ssyncadd.tile.s32 @!p0 $0x1;
	_ =	shalt  }
.Lfunc_end2:
_tile_overlayer_lowered:
.L_overlay_start_2:
0x8e: {  	(tag) =	ssettag $0x2  }
0x8f: {  	s0 =	rddreg [dreg:$0x0];
	s2 =	stileid.u32  }
0x90: {  	s1 =	rddreg [dreg:$0x1];
	p0 =	sne.s32 s2, $0x0  }
0x91: {  	s3 =	rddreg [dreg:$0x2];
	[bflag:$0x3] =	sbarrier.arrive $0xFFFF;
	s2 =	simm.s32 @!p0 $0x1C03  }
0x92: {  	[timem:s3], [sflag:s2] =	dma.local @!p0 [hbm:s0], s1  }
0x93: {  	s0 =	simm.s32 @!p0 $0x3  }
0x94: {  	_ =	swait.ge @!p0 [sflag:s0], s1  }
0x95: {  	s1 =	ssub.s32 @!p0 $0x0, s1;
	[sflag:s0] =	ssyncset.done @!p0 $0x0  }
0x96: {  	[sflag:s0] =	ssyncadd.s32 @!p0 s1  }
0x97: {  	[bflag:$0x3] =	sbarrier.arrive $0xFFFF  }
0x98: {  	_ =	shalt  }

// kernel: kernel.9.cloned.1.call-start
scs
__scs_entry_jumppad:
0x0: {  	(pc) =	sbr.rel $0x88, $3  }
0x1: {  	(tag) =	ssettag $0x0;
	lr =	simm.s32 $0x1  }
0x2: {  	[smem:$0x3F9B] =	sst lr;
	_ =	strace $0xD0000000  }
0x3: {  	_ = 	snop  }
0x4: {  	_ = 	snop  }
0x5: {  	_ = 	snop  }
0x6: {  	_ = 	snop  }
0x7: {  	_ = 	snop  }
__scs_overlays_trampoline_lowered:
0x8: {  	[smem:$0x3FAA] =	sst s0  }
0x9: {  	[smem:$0x3FAB] =	sst s1  }
0xa: {  	[smem:$0x3FAC] =	sst s2  }
0xb: {  	[smem:$0x3FAD] =	sst s3  }
0xc: {  	[smem:$0x3FAE] =	sst s4  }
0xd: {  	[smem:$0x3FAF] =	sst s5  }
0xe: {  	[smem:$0x3FB0] =	sst s6  }
0xf: {  	[smem:$0x3FB1] =	sst s7  }
0x10: {  	[smem:$0x3FB2] =	sst s8  }
0x11: {  	[smem:$0x3FB3] =	sst s9;
	s0 =	simm.s32 @!p0 $0x0  }
0x12: {  	s1 =	sld [smem:$0x3F99];
	s0 =	simm.s32 @p0 $0x1  }
0x13: {  	[smem:$0x3FB4] =	sst s0;
	s0 =	simm.s32 @!p1 $0x0  }
0x14: {  	s2 =	sld [smem:$0x3F98];
	s0 =	simm.s32 @p1 $0x1  }
0x15: {  	[smem:$0x3FB5] =	sst s0;
	s0 =	simm.s32 @!p2 $0x0  }
0x16: {  	s3 =	sld [smem:$0x3FDB];
	s0 =	simm.s32 @p2 $0x1  }
0x17: {  	s4 =	simm.s32 $0x1BF5;
	[smem:$0x3FB7] =	sst s0  }
0x18: {  	s0 =	sld [smem:$0x3F9A];
	_ =	swait.ge [sflag:s4], $0x0  }
0x19: {  	s7 =	sld [smem:$0x3F9B]  }
0x1a: {  	s8 =	sadd.s32 $0xFFFFE003, lr  }
0x1b: {  	s9 =	sadd.s32 $0xFFFFFEF7, lr;
	s5 =	simm.s32 $0xFFFFFFFF;
	p2 =	slt.u32 s8, $0xFFFFF086  }
0x1c: {  	p1 =	slt.u32 s9, $0xF7A;
	s5 =	simm.s32 @!p2 $0x0  }
0x1d: {  	s5 =	simm.s32 @p1 $0x1;
	p0 =	seq.s32 s7, s2  }
0x1e: {  	s7 =	smul.u32 @!p0 $0xF7A, s2;
	p2 =	seq.s32 @!p0 s5, $0x0  }
0x1f: {  	s9 =	smul.u32 $0xF7A, s1;
	s8 =	simm.s32 @!p0 $0x1BF5;
	p2 =	por !p2, p0  }
0x20: {  	[sflag:s8] =	ssyncset.s32 @!p0 $0xFFFFF086;
	s6 =	sadd.s32 @!p0 s3, s7;
	s7 =	simm.s32 @!p0 $0x108  }
0x21: {  	s3 =	sadd.s32 s3, s9;
	s6 =	sadd.s32 @!p0 $0x88, s6;
	s7 =	simm.s32 @p2 $0x1082  }
0x22: {  	[simem:s7], [sflag:s8] =	dma.local @!p0 [hbm:s6], $0xF7A  }
0x23: {  	s9 =	sor.u32 $0xD0000000, s2;
	s6 =	simm.s32 $0x108;
	_ =	swait.ge @!p0 [sflag:s8], $0x0  }
0x24: {  	s3 =	sadd.s32 $0x88, s3;
	s6 =	simm.s32 @!p1 $0x1082;
	[sflag:s4] =	ssyncset.s32 $0xFFFFF086  }
0x25: {  	[simem:s6], [sflag:s4] =	dma.local [hbm:s3], $0xF7A  }
0x26: {  	[smem:$0x3F9B] =	sst s1;
	(tag) =	ssettag s2;
	_ =	strace s9  }
0x27: {  	s1 =	sld [smem:$0x3FAB]  }
0x28: {  	s2 =	sld [smem:$0x3FAC]  }
0x29: {  	s4 =	sld [smem:$0x3FAE]  }
0x2a: {  	p0 =	seq.s32 s5, $0x0;
	s5 =	sld [smem:$0x3FAF]  }
0x2b: {  	s6 =	sld [smem:$0x3FB0]  }
0x2c: {  	s7 =	sld [smem:$0x3FB1]  }
0x2d: {  	s3 =	simm.s32 $0x108;
	s8 =	sld [smem:$0x3FB2]  }
0x2e: {  	s3 =	simm.s32 @!p0 $0x1082;
	s9 =	sld [smem:$0x3FB3]  }
0x2f: {  	lr =	sadd.s32 s0, s3;
	s0 =	sld [smem:$0x3FAA]  }
0x30: {  	s3 =	sld [smem:$0x3FAD]  }
0x31: {  	[smem:$0x3FB6] =	sst s10  }
0x32: {  	s10 =	sld [smem:$0x3FB4];
	_ =	sdelay $0x3  }
0x33: {  	p0 =	seq.s32 s10, $0x1;
	s10 =	sld [smem:$0x3FB6];
	_ =	sdelay $0x3  }
0x34: {  	[smem:$0x3FB6] =	sst s10  }
0x35: {  	s10 =	sld [smem:$0x3FB5];
	_ =	sdelay $0x3  }
0x36: {  	p1 =	seq.s32 s10, $0x1;
	s10 =	sld [smem:$0x3FB6];
	_ =	sdelay $0x3  }
0x37: {  	[smem:$0x3FB6] =	sst s10  }
0x38: {  	s10 =	sld [smem:$0x3FB7]  }
0x39: {  	_ = 	snop;
	(pc) =	sbr.ind lr, $3  }
0x3a: {  	_ = 	snop  }
0x3b: {  	_ = 	snop  }
0x3c: {  	p2 =	seq.s32 s10, $0x1;
	s10 =	sld [smem:$0x3FB6]  }
0x3d: {  	_ =	shalt  }
0x3e: {  	_ =	shalt  }
0x3f: {  	_ =	shalt  }
0x40: {  	_ =	shalt  }
0x41: {  	_ =	shalt  }
0x42: {  	_ =	shalt  }
0x43: {  	_ =	shalt  }
0x44: {  	_ =	shalt  }
0x45: {  	_ =	shalt  }
0x46: {  	_ =	shalt  }
0x47: {  	_ =	shalt  }
0x48: {  	_ =	shalt  }
0x49: {  	_ =	shalt  }
0x4a: {  	_ =	shalt  }
0x4b: {  	_ =	shalt  }
0x4c: {  	_ =	shalt  }
0x4d: {  	_ =	shalt  }
0x4e: {  	_ =	shalt  }
0x4f: {  	_ =	shalt  }
0x50: {  	_ =	shalt  }
0x51: {  	_ =	shalt  }
0x52: {  	_ =	shalt  }
0x53: {  	_ =	shalt  }
0x54: {  	_ =	shalt  }
0x55: {  	_ =	shalt  }
0x56: {  	_ =	shalt  }
0x57: {  	_ =	shalt  }
0x58: {  	_ =	shalt  }
0x59: {  	_ =	shalt  }
0x5a: {  	_ =	shalt  }
0x5b: {  	_ =	shalt  }
0x5c: {  	_ =	shalt  }
0x5d: {  	_ =	shalt  }
0x5e: {  	_ =	shalt  }
0x5f: {  	_ =	shalt  }
0x60: {  	_ =	shalt  }
0x61: {  	_ =	shalt  }
0x62: {  	_ =	shalt  }
0x63: {  	_ =	shalt  }
0x64: {  	_ =	shalt  }
0x65: {  	_ =	shalt  }
0x66: {  	_ =	shalt  }
0x67: {  	_ =	shalt  }
0x68: {  	_ =	shalt  }
0x69: {  	_ =	shalt  }
0x6a: {  	_ =	shalt  }
0x6b: {  	_ =	shalt  }
0x6c: {  	_ =	shalt  }
0x6d: {  	_ =	shalt  }
0x6e: {  	_ =	shalt  }
0x6f: {  	_ =	shalt  }
0x70: {  	_ =	shalt  }
0x71: {  	_ =	shalt  }
0x72: {  	_ =	shalt  }
0x73: {  	_ =	shalt  }
0x74: {  	_ =	shalt  }
0x75: {  	_ =	shalt  }
0x76: {  	_ =	shalt  }
0x77: {  	_ =	shalt  }
0x78: {  	_ =	shalt  }
0x79: {  	_ =	shalt  }
0x7a: {  	_ =	shalt  }
0x7b: {  	_ =	shalt  }
0x7c: {  	_ =	shalt  }
0x7d: {  	_ =	shalt  }
0x7e: {  	_ =	shalt  }
0x7f: {  	_ =	shalt  }
0x80: {  	_ =	shalt  }
0x81: {  	_ =	shalt  }
0x82: {  	_ =	shalt  }
0x83: {  	_ =	shalt  }
0x84: {  	_ =	shalt  }
0x85: {  	_ =	shalt  }
0x86: {  	_ =	shalt  }
0x87: {  	_ =	shalt  }
.Lfunc_end0:
.L_simem_size_0:
called_computation_lowered:
.L_overlay_start_0:
0x88: {  	s2 =	sld [smem:$0x3FD9]  }
0x89: {  	s3 =	sld [smem:$0x3FFE];
	_ =	sdelay $0x1  }
0x8a: {  	s1 =	srdreg.scid  }
0x8b: {  	s0 =	sand.u32 $0x1, s1  }
0x8c: {  	s16 =	sshll.u32 s0, $0xA;
	s2 =	sadd.s32 s3, s2  }
0x8d: {  	s2 =	sadd.s32 s2, s16  }
0x8e: {  	[smem:$0x3FC2] =	sst s2  }
0x8f: {  	_ = 	snop  }
0x90: {  	(tm) =	ssettm $0x1  }
0x91: {  	s17 =	sld [smem:$0x3FFB];
	_ =	sdelay $0x3  }
0x92: {  	_ =	strace s17  }
0x93: {  	s2 =	sld [smem:$0x3FFC];
	_ =	sdelay $0x3  }
0x94: {  	_ =	strace s2  }
0x95: {  	s2 =	sld [smem:$0x3FFD];
	_ =	sdelay $0x3  }
0x96: {  	_ =	strace s2  }
0x97: {  	_ =	strace $0x8FFFFFFF  }
0x98: {  	s18 =	sld [smem:$0x3FDB];
	_ =	sdelay $0x1  }
0x99: {  	s19 =	simm.s32 $_scs_section_size  }
0x9a: {  	s4 =	simm.s32 $_size__tile_overlayer_lowered;
	s5 =	simm.s32 $_tile_overlayer_lowered  }
0x9b: {  	s22 =	simm.s32 $0x1BFF;
	s21 =	sshll.u32 s5, $0x1;
	s2 =	sadd.s32 s19, s18  }
0x9c: {  	s6 =	simm.s32 $0x0;
	s20 =	sshll.u32 s4, $0x1;
	s4 =	sadd.s32 s21, s2  }
0x9d: {  	[timem:s6], [sflag:s22] =	dma.local [hbm:s4], s20  }
0x9e: {  	_ =	swait.ge [sflag:s22], s20  }
0x9f: {  	s3 =	ssub.s32 $0x0, s20;
	[sflag:s22] =	ssyncset.done $0x0  }
0xa0: {  	[sflag:s22] =	ssyncadd.s32 s3;
	_ =	sdelay $0x1  }
0xa1: {  	s23 =	simm.s32 $0x1B8B  }
0xa2: {  	_ =	swait.ge [sflag:s23], $0x1  }
0xa3: {  	[sflag:s23] =	ssyncset.done $0x0  }
0xa4: {  	s25 =	simm.s32 $0x1B8E;
	s24 =	sld [smem:$0x3FFE];
	[sflag:s23] =	ssyncadd.s32 $0xFFFFFFFF  }
0xa5: {  	s26 =	simm.s32 $execute0_lowered;
	[smem:$0x3FD2] =	sst s25  }
0xa6: {  	s4 =	sshll.u32 s26, $0x1;
	_ =	strace $0x80000046;
	[dreg:$0x1] =	wrdreg $0xFFFFFFFF  }
0xa7: {  	s28 =	simm.s32 $_size_execute0_lowered;
	s2 =	sadd.s32 s2, s4;
	[dreg:$0x0] =	wrdreg $0x0  }
0xa8: {  	s4 =	sshll.u32 s28, $0x1;
	[dreg:$0x2] =	wrdreg s2  }
0xa9: {  	[dreg:$0x3] =	wrdreg s4  }
0xaa: {  	[dreg:$0x4] =	wrdreg $0xC0  }
0xab: {  	_ =	task [dreg:s6], $0x5FFFF  }
0xac: {  	[dreg:$0x1] =	wrdreg $0xFFFFFFFF  }
0xad: {  	[dreg:$0x0] =	wrdreg $0x60  }
0xae: {  	[dreg:$0x2] =	wrdreg s24  }
0xaf: {  	[dreg:$0x3] =	wrdreg $0xA4100  }
0xb0: {  	[dreg:$0x4] =	wrdreg $0x9  }
0xb1: {  	_ =	task.clear_ibuf [dreg:s6], $0x5FFFF;
	_ =	strace $0x90000046  }
0xb2: {  	s29 =	simm.s32 $0x9;
	_ =	strace $0x80000048  }
0xb3: {  	_ =	swait.ge [sflag:s29], $0x1  }
0xb4: {  	[sflag:s29] =	ssyncadd.s32 $0xFFFFFFFF  }
0xb5: {  	_ =	strace $0x90000048  }
0xb6: {  	_ =	sfence  }
0xb7: {  	s30 =	sld [smem:$0x0];
	_ =	sdelay $0x2  }
0xb8: {  	s31 =	sshll.u32 s1, $0xD;
	s1 =	sshrl.u32 s1, $0x2  }
0xb9: {  	s3 =	sand.u32 $0x4000, s31;
	s1 =	sadd.s32 s1, s30  }
0xba: {  	s0 =	sor.u32 s3, s0;
	s1 =	sshll.u32 s1, $0x11  }
0xbb: {  	s0 =	sor.u32 s1, s0  }
0xbc: {  	s0 =	sadd.s32 $0x8F2B, s0  }
0xbd: {  	[sflag:s0] =	ssyncadd.remote.s32 $0x1  }
0xbe: {  	_ =	sfence.sel $0xFFFF  }
0xbf: {  	[dreg:$0x0] =	wrdreg $0xFFFFFFFF;
	(pc) =	sbr.abs _section_cstart, $3  }
0xc0: {  	[dreg:$0x1] =	wrdreg $0xFFFFFFFF  }
0xc1: {  	_ =	task.clear_ibuf [dreg:s6], $0x2FFFF;
	_ =	strace $0x9FFFFFFF  }
0xc2: {  	(tm) =	ssettm $0x7FFFFFFF  }
0xc3: {  	_ =	shalt  }
tec
execute0_lowered:
.L_overlay_start_1:
0x0: {  	(tag) =	ssettag $0x1  }
0x1: {  	s16 =	rddreg [dreg:$0x0]  }
0x2: {  	s2 =	rddreg [dreg:$0x1]  }
0x3: {  	s0 =	rddreg [dreg:$0x2]  }
0x4: {  	s3 =	simm.s32 $0x0;
	s1 =	stileid.u32;
	s9 =	srdreg.scid  }
0x5: {  	[smem:$0x7FF] =	sst s3;
	s17 =	smul.u32 $0x2800, s1  }
0x6: {  	s4 =	sadd.s32 $0x16200, s16;
	s6 =	sshll.u32 s1, $0x6;
	_ =	strace $0x80000047  }
0x7: {  	s6 =	sor.u32 $0x1C02, s6;
	s5 =	sshrl.u32 s17, $0x3;
	s7 =	sadd.s32 s17, s2  }
0x8: {  	s5 =	sadd.s32 s4, s5;
	s8 =	sshrl.u32 s7, $0x3;
	s7 =	simm.s32 $0x2  }
0x9: {  	[spmem:s8], [sflag:s6] =	dma.local [hbm:s5], $0x500  }
0xa: {  	s18 =	sand.u32 $0x1, s9;
	s29 =	sshll.u32 s1, $0x1;
	_ =	swait.ge [sflag:s7], $0x500  }
0xb: {  	s9 =	sor.u32 s18, s29;
	[sflag:s7] =	ssyncset.done $0x0  }
0xc: {  	s10 =	smul.u32 $0x2710, s9;
	s9 =	simm.s32 $0x2710;
	[sflag:s7] =	ssyncadd.s32 $0xFFFFFB00  }
0xd: {  	[tilespmem:s9], [sflag:$0x2] =	stream.linear.gather [hbm4b:s4+s3], $0x7D00, $0x38;
	[tilespmem:$0xCC10] =	vst v63  }
0xe: {  	s10 =	sshrl.u32 s10, $0x3;
	_ =	swait.ge [sflag:s7], $0x7D00  }
0xf: {  	s10 =	sadd.s32 s16, s10;
	[sflag:s7] =	ssyncset.done $0x0  }
0x10: {  	s10 =	sadd.s32 $0xC440, s10;
	[sflag:s7] =	ssyncadd.s32 $0xFFFF8300  }
0x11: {  	[tilespmem:s3], [sflag:$0x2] =	stream.linear.gather [hbm4b:s10+s3], $0x2710, $0x38;
	[tilespmem:$0xCC10] =	vst v63  }
0x12: {  	_ =	swait.ge [sflag:s7], $0x2710  }
0x13: {  	[sflag:s7] =	ssyncset.done $0x0  }
0x14: {  	[sflag:s7] =	ssyncadd.s32 $0xFFFFD8F0  }
0x15: {  	s11 =	simm.s32 $0x7D0;
	[bflag:$0x0] =	sbarrier.arrive $0xFFFF  }
0x16: {  	[spmem:s2] =	stream.indirect.scatter.add.f32 [tilespmem:s9], [sflag:$0x1], $0x10, s3, s11, $0xb8;
	[tilespmem:$0xCC10] =	vst v63  }
0x17: {  	_ = 	snop  }
0x18: {  	[spmem:s2] =	stream.indirect.scatter.add.f32 [tilespmem:s9], [sflag:$0x1], $0x10, s11, s11, $0xb8;
	[tilespmem:$0xCC10] =	vst v63  }
0x19: {  	s12 =	simm.s32 $0xFA0  }
0x1a: {  	[spmem:s2] =	stream.indirect.scatter.add.f32 [tilespmem:s9], [sflag:$0x1], $0x10, s12, s11, $0xb8;
	[tilespmem:$0xCC10] =	vst v63  }
0x1b: {  	s13 =	simm.s32 $0x1770  }
0x1c: {  	[spmem:s2] =	stream.indirect.scatter.add.f32 [tilespmem:s9], [sflag:$0x1], $0x10, s13, s11, $0xb8;
	[tilespmem:$0xCC10] =	vst v63  }
0x1d: {  	s14 =	simm.s32 $0x1F40;
	s15 =	simm.s32 $0x1  }
0x1e: {  	[spmem:s2] =	stream.indirect.scatter.add.f32 [tilespmem:s9], [sflag:$0x1], $0x10, s14, s11, $0xb8;
	[tilespmem:$0xCC10] =	vst v63  }
0x1f: {  	_ =	swait.ge [sflag:s15], $0x7D00  }
0x20: {  	[sflag:s15] =	ssyncset.done $0x0  }
0x21: {  	[sflag:s15] =	ssyncadd.s32 $0xFFFF8300  }
0x22: {  	_ =	swait.ge [sflag:s15], $0x7D00  }
0x23: {  	[sflag:s15] =	ssyncset.done $0x0  }
0x24: {  	[sflag:s15] =	ssyncadd.s32 $0xFFFF8300  }
0x25: {  	_ =	swait.ge [sflag:s15], $0x7D00  }
0x26: {  	[sflag:s15] =	ssyncset.done $0x0  }
0x27: {  	s19 =	smul.u32 $0x28000, s18;
	[sflag:s15] =	ssyncadd.s32 $0xFFFF8300  }
0x28: {  	s18 =	ssub.s32 $0x2, s18;
	_ =	swait.ge [sflag:s15], $0x7D00  }
0x29: {  	s30 =	sshrl.u32 s18, $0x1;
	s17 =	sadd.s32 s17, s19;
	[sflag:s15] =	ssyncset.done $0x0  }
0x2a: {  	s31 =	ssub.s32 s18, s30;
	s17 =	sshrl.u32 s17, $0x3;
	[sflag:s15] =	ssyncadd.s32 $0xFFFF8300  }
0x2b: {  	s16 =	sadd.s32 s17, s16;
	s17 =	smax.u32 s31, $0x1;
	_ =	swait.ge [sflag:s15], $0x7D00  }
0x2c: {  	p0 =	sne.s32 s17, $0x1;
	[sflag:s15] =	ssyncset.done $0x0  }
.Ltmp0:
0x2d: {  	[sflag:s15] =	ssyncadd.s32 $0xFFFF8300;
	(pc) =	sbr.rel @!p0 .LBB2_2-.Ltmp0, $4  }
0x2e: {  	s16 =	sadd.s32 $0x1B200, s16;
	[bflag:$0x0] =	sbarrier.arrive $0xFFFF  }
0x2f: {  	[hbm:s16], [sflag:s6] =	dma.local [spmem:s8], $0x500  }
0x30: {  	_ =	swait.ge [sflag:s7], $0x500  }
0x31: {  	s17 =	sadd.s32 $0xFFFFFFFF, s17;
	[sflag:s7] =	ssyncset.done $0x0  }
.LBB2_1:
0x32: {  	p0 =	sne.s32 s17, $0x1;
	s17 =	sadd.s32 $0xFFFFFFFF, s17;
	[sflag:s7] =	ssyncadd.s32 $0xFFFFFB00  }
0x33: {  	[spmem:s8], [sflag:s6] =	dma.local [hbm:s5], $0x500  }
0x34: {  	_ =	swait.ge [sflag:s7], $0x500  }
0x35: {  	[sflag:s7] =	ssyncset.done $0x0  }
0x36: {  	[sflag:s7] =	ssyncadd.s32 $0xFFFFFB00  }
0x37: {  	[tilespmem:s9], [sflag:$0x2] =	stream.linear.gather [hbm4b:s4+s3], $0x7D00, $0x38;
	[tilespmem:$0xCC10] =	vst v63  }
0x38: {  	_ =	swait.ge [sflag:s7], $0x7D00  }
0x39: {  	[sflag:s7] =	ssyncset.done $0x0  }
0x3a: {  	[sflag:s7] =	ssyncadd.s32 $0xFFFF8300  }
0x3b: {  	[tilespmem:s3], [sflag:$0x2] =	stream.linear.gather [hbm4b:s10+s3], $0x2710, $0x38;
	[tilespmem:$0xCC10] =	vst v63  }
0x3c: {  	_ =	swait.ge [sflag:s7], $0x2710  }
0x3d: {  	[sflag:s7] =	ssyncset.done $0x0  }
0x3e: {  	[sflag:s7] =	ssyncadd.s32 $0xFFFFD8F0  }
0x3f: {  	[bflag:$0x0] =	sbarrier.arrive $0xFFFF  }
0x40: {  	[spmem:s2] =	stream.indirect.scatter.add.f32 [tilespmem:s9], [sflag:$0x1], $0x10, s3, s11, $0xb8;
	[tilespmem:$0xCC10] =	vst v63  }
0x41: {  	_ = 	snop  }
0x42: {  	[spmem:s2] =	stream.indirect.scatter.add.f32 [tilespmem:s9], [sflag:$0x1], $0x10, s11, s11, $0xb8;
	[tilespmem:$0xCC10] =	vst v63  }
0x43: {  	_ = 	snop  }
0x44: {  	[spmem:s2] =	stream.indirect.scatter.add.f32 [tilespmem:s9], [sflag:$0x1], $0x10, s12, s11, $0xb8;
	[tilespmem:$0xCC10] =	vst v63  }
0x45: {  	_ = 	snop  }
0x46: {  	[spmem:s2] =	stream.indirect.scatter.add.f32 [tilespmem:s9], [sflag:$0x1], $0x10, s13, s11, $0xb8;
	[tilespmem:$0xCC10] =	vst v63  }
0x47: {  	_ = 	snop  }
0x48: {  	[spmem:s2] =	stream.indirect.scatter.add.f32 [tilespmem:s9], [sflag:$0x1], $0x10, s14, s11, $0xb8;
	[tilespmem:$0xCC10] =	vst v63  }
0x49: {  	_ =	swait.ge [sflag:s15], $0x7D00  }
0x4a: {  	[sflag:s15] =	ssyncset.done $0x0  }
0x4b: {  	[sflag:s15] =	ssyncadd.s32 $0xFFFF8300  }
0x4c: {  	_ =	swait.ge [sflag:s15], $0x7D00  }
0x4d: {  	[sflag:s15] =	ssyncset.done $0x0  }
0x4e: {  	[sflag:s15] =	ssyncadd.s32 $0xFFFF8300  }
0x4f: {  	_ =	swait.ge [sflag:s15], $0x7D00  }
0x50: {  	[sflag:s15] =	ssyncset.done $0x0  }
0x51: {  	[sflag:s15] =	ssyncadd.s32 $0xFFFF8300  }
0x52: {  	_ =	swait.ge [sflag:s15], $0x7D00  }
0x53: {  	[sflag:s15] =	ssyncset.done $0x0  }
0x54: {  	[sflag:s15] =	ssyncadd.s32 $0xFFFF8300  }
0x55: {  	_ =	swait.ge [sflag:s15], $0x7D00  }
0x56: {  	[sflag:s15] =	ssyncset.done $0x0  }
.Ltmp1:
0x57: {  	[sflag:s15] =	ssyncadd.s32 $0xFFFF8300;
	(pc) =	sbr.rel @p0 .LBB2_1-.Ltmp1, $4  }
0x58: {  	[bflag:$0x0] =	sbarrier.arrive $0xFFFF  }
0x59: {  	[hbm:s16], [sflag:s6] =	dma.local [spmem:s8], $0x500  }
0x5a: {  	_ =	swait.ge [sflag:s7], $0x500  }
0x5b: {  	[sflag:s7] =	ssyncset.done $0x0  }
.LBB2_2:
0x5c: {  	[sflag:s7] =	ssyncadd.s32 $0xFFFFFB00  }
0x5d: {  	_ =	sfence.sel $0x180000  }
0x5e: {  	[bflag:$0x0] =	sbarrier.arrive $0xFFFF  }
0x5f: {  	p0 =	sne.s32 s1, $0x0;
	_ =	strace $0x90000047  }
0x60: {  	s0 =	sadd.s32 @!p0 $0x100000, s0;
	[bflag:$0x2] =	sbarrier.arrive $0xFFFF  }
0x61: {  	[sflag:s0] =	ssyncadd.tile.s32 @!p0 $0x1;
	_ =	shalt  }
.Lfunc_end2:
_tile_overlayer_lowered:
.L_overlay_start_2:
0x62: {  	(tag) =	ssettag $0x2  }
0x63: {  	s0 =	rddreg [dreg:$0x0];
	s2 =	stileid.u32  }
0x64: {  	s1 =	rddreg [dreg:$0x1];
	p0 =	sne.s32 s2, $0x0  }
0x65: {  	s3 =	rddreg [dreg:$0x2];
	[bflag:$0x3] =	sbarrier.arrive $0xFFFF;
	s2 =	simm.s32 @!p0 $0x1C02  }
0x66: {  	[timem:s3], [sflag:s2] =	dma.local @!p0 [hbm:s0], s1  }
0x67: {  	s0 =	simm.s32 @!p0 $0x2  }
0x68: {  	_ =	swait.ge @!p0 [sflag:s0], s1  }
0x69: {  	s1 =	ssub.s32 @!p0 $0x0, s1;
	[sflag:s0] =	ssyncset.done @!p0 $0x0  }
0x6a: {  	[sflag:s0] =	ssyncadd.s32 @!p0 s1  }
0x6b: {  	[bflag:$0x3] =	sbarrier.arrive $0xFFFF  }
0x6c: {  	_ =	shalt  }

</sc_bundles>
